<compile_context>
chip_gen: v7x
topology: tpu7x:2x2x1
jax: 0.10.2.dev20260603
libtpu: 0.0.44.dev20260713+nightly
codegen_flags: <defaults>
</compile_context>

<pallas_src>
import functools

import jax
import jax.numpy as jnp
from jax import lax
from jax.experimental import pallas as pl
from jax.experimental.pallas import tpu as pltpu
from jax.experimental.pallas import tpu_sc as plsc

_N = 32768
_BINS = 16
_NS = 16
_CHUNK = _N // _NS
_VECS = _CHUNK // 16
_ROWSTRIDE = 64


def _hist_body(ids_hbm, w_hbm, par_hbm, out_hbm,
               ids_v, w_v, par_v, hist_v, fold_v, comb_v, shared,
               sem0, sem1, sem2):
    sid = lax.axis_index("s")
    base = sid * _CHUNK

    cp0 = pltpu.async_copy(ids_hbm.at[pl.ds(base, _CHUNK)], ids_v, sem0)
    cp1 = pltpu.async_copy(w_hbm.at[pl.ds(base, _CHUNK)], w_v, sem1)
    cp2 = pltpu.async_copy(par_hbm, par_v, sem2)
    cp0.wait()
    cp1.wait()
    cp2.wait()

    lane = lax.iota(jnp.int32, 16)
    nt = par_v[pl.ds(0, 16)][0]
    zero = jnp.zeros((16,), jnp.float32)

    n_valid = jnp.clip(nt - base, 0, _CHUNK)
    n_full = n_valid // 16
    rem = n_valid - n_full * 16

    def step(j, accs):
        off = j * 16
        ids = ids_v[pl.ds(off, 16)]
        w = w_v[pl.ds(off, 16)]
        return tuple(jnp.where(ids == b, accs[b] + w, accs[b])
                     for b in range(_BINS))

    accs = lax.fori_loop(0, n_full, step,
                         tuple(zero for _ in range(_BINS)))

    offp = jnp.minimum(n_full, _VECS - 1) * 16
    ids_p = ids_v[pl.ds(offp, 16)]
    w_p = jnp.where(lane < rem, w_v[pl.ds(offp, 16)], zero)
    accs = tuple(jnp.where(ids_p == b, accs[b] + w_p, accs[b])
                 for b in range(_BINS))

    tile_hist = zero
    for b in range(_BINS):
        cur = accs[b]
        off = b * 32
        for r in (8, 4, 2, 1):
            fold_v[pl.ds(off, 16)] = cur
            cur = cur + fold_v[pl.ds(off + r, 16)]
        tile_hist = tile_hist + jnp.where(lane == b, cur[0], 0.0)
    hist_v[...] = tile_hist

    pltpu.sync_copy(hist_v, shared.at[pl.ds(sid * _ROWSTRIDE, 16)])
    plsc.subcore_barrier()

    @pl.when(sid == 0)
    def _():
        pltpu.sync_copy(shared, comb_v)
        tot = zero
        for i in range(_NS):
            tot = tot + comb_v[pl.ds(i * _ROWSTRIDE, 16)]
        ms = par_v[pl.ds(16, 16)]
        tot = jnp.where(lane < ms, tot, zero)
        hist_v[...] = tot
        pltpu.sync_copy(hist_v, out_hbm)


@functools.partial(
    pl.kernel,
    mesh=plsc.VectorSubcoreMesh(core_axis_name="c", subcore_axis_name="s",
                                num_cores=1),
    out_type=jax.ShapeDtypeStruct((_BINS,), jnp.float32),
    scratch_types=[
        pltpu.VMEM((_CHUNK,), jnp.int32),
        pltpu.VMEM((_CHUNK,), jnp.float32),
        pltpu.VMEM((32,), jnp.int32),
        pltpu.VMEM((16,), jnp.float32),
        pltpu.VMEM((_BINS * 32,), jnp.float32),
        pltpu.VMEM((_NS * _ROWSTRIDE,), jnp.float32),
        pltpu.VMEM_SHARED((_NS * _ROWSTRIDE,), jnp.float32),
        pltpu.SemaphoreType.DMA,
        pltpu.SemaphoreType.DMA,
        pltpu.SemaphoreType.DMA,
    ],
)
def _hist_kernel(ids_hbm, w_hbm, par_hbm, out_hbm,
                 ids_v, w_v, par_v, hist_v, fold_v, comb_v, shared,
                 sem0, sem1, sem2):
    _hist_body(ids_hbm, w_hbm, par_hbm, out_hbm,
               ids_v, w_v, par_v, hist_v, fold_v, comb_v, shared,
               sem0, sem1, sem2)


def kernel(tokens, seq_ids, pos_ids, weights, num_tokens, max_sequences):
    par = jnp.concatenate([
        jnp.full((16,), num_tokens, dtype=jnp.int32),
        jnp.full((16,), max_sequences, dtype=jnp.int32),
    ])
    return _hist_kernel(seq_ids, weights, par)

# --- scband reference (transcript-rebuilt; emitter-appended) ---
"""Pipeline reference for scband-packed-sequence-23811298689266 (READ-ONLY COPY).

The authoritative reference and input builder live on the scoring server;
editing this copy changes nothing except your own understanding.
"""

import jax, jax.numpy as jnp
import numpy as np

N = 32768
MAX_SEQ = 16
NUM_TOKENS = 30000


def setup_inputs(seed: int = 0) -> dict:
    key = jax.random.key(seed)
    k1, k2, k3 = jax.random.split(key, 3)
    tokens = jax.random.randint(k1, (N,), 0, 50257, dtype=jnp.int32)
    seq_ids = jnp.sort(jax.random.randint(k2, (N,), 0, MAX_SEQ, dtype=jnp.int32))
    pos_ids = jax.random.randint(k3, (N,), 0, 4096, dtype=jnp.int32)
    weights = jnp.ones((N,), dtype=jnp.float32)
    return {
        "tokens": tokens,
        "seq_ids": seq_ids,
        "pos_ids": pos_ids,
        "weights": weights,
        "num_tokens": NUM_TOKENS,
        "max_sequences": MAX_SEQ,
    }


def reference(tokens, seq_ids, pos_ids, weights, num_tokens, max_sequences):
    # PackedSequence.token_counts_per_sequence:
    # mask out positions beyond num_tokens, then histogram over seq_ids.
    n = seq_ids.shape[0]
    mask = jnp.where(jnp.arange(n) < num_tokens, 1.0, 0.0).astype(jnp.float32)
    w = mask * weights  # weights are all-ones, matching the original where(...,1,0)
    w = jnp.where(seq_ids < max_sequences, w, 0.0)
    counts = jnp.bincount(seq_ids, weights=w, length=MAX_SEQ)
    return counts

if __name__ == "__main__":
    import jax
    _d = setup_inputs()
    print(jax.jit(kernel)(*tuple(_d.values())))

</pallas_src>

<mosaic_0001>
#map = affine_map<(d0, d1) -> (0)>
module attributes {stable_mosaic.version = 14 : i64} {
  func.func @_hist_kernel(%arg0: i32, %arg1: i32, %arg2: memref<32768xi32, #tpu.memory_space<hbm>>, %arg3: memref<32768xf32, #tpu.memory_space<hbm>>, %arg4: memref<32xi32, #tpu.memory_space<hbm>>, %arg5: memref<16xf32, #tpu.memory_space<hbm>>, %arg6: memref<2048xi32, #tpu.memory_space<vmem>>, %arg7: memref<2048xf32, #tpu.memory_space<vmem>>, %arg8: memref<32xi32, #tpu.memory_space<vmem>>, %arg9: memref<16xf32, #tpu.memory_space<vmem>>, %arg10: memref<512xf32, #tpu.memory_space<vmem>>, %arg11: memref<1024xf32, #tpu.memory_space<vmem>>, %arg12: memref<1024xf32, #tpu.memory_space<vmem_shared>>, %arg13: memref<!tpu.dma_semaphore, #tpu.memory_space<semaphore_mem>>, %arg14: memref<!tpu.dma_semaphore, #tpu.memory_space<semaphore_mem>>, %arg15: memref<!tpu.dma_semaphore, #tpu.memory_space<semaphore_mem>>) attributes {dimension_semantics = [#tpu.dimension_semantics<core_parallel>, #tpu.dimension_semantics<subcore_parallel>], iteration_bounds = array<i64: 1, 16>, scalar_prefetch = 0 : i64, scratch_operands = 10 : i64, tpu.core_type = #tpu.core_type<sc_vector_subcore>, window_params = [{transform_indices = #map}, {transform_indices = #map}, {transform_indices = #map}, {transform_indices = #map}]} {
    %mul3A = arith.constant 2048 : i32
    %mul3A_0 = arith.muli %arg1, %mul3A : i32
    %dma_start3A = tpu.memref_slice %arg2[%mul3A_0] : memref<32768xi32, #tpu.memory_space<hbm>> -> memref<2048xi32, #tpu.memory_space<hbm>>
    %dma_start3A_1 = tpu.memref_slice %arg2[%mul3A_0] : memref<32768xi32, #tpu.memory_space<hbm>> -> memref<2048xi32, #tpu.memory_space<hbm>>
    tpu.enqueue_dma source(%dma_start3A_1 : memref<2048xi32, #tpu.memory_space<hbm>>) target(%arg6 : memref<2048xi32, #tpu.memory_space<vmem>>) target_semaphore(%arg13 : memref<!tpu.dma_semaphore, #tpu.memory_space<semaphore_mem>>)
    %dma_start3A_2 = tpu.memref_slice %arg3[%mul3A_0] : memref<32768xf32, #tpu.memory_space<hbm>> -> memref<2048xf32, #tpu.memory_space<hbm>>
    %dma_start3A_3 = tpu.memref_slice %arg3[%mul3A_0] : memref<32768xf32, #tpu.memory_space<hbm>> -> memref<2048xf32, #tpu.memory_space<hbm>>
    tpu.enqueue_dma source(%dma_start3A_3 : memref<2048xf32, #tpu.memory_space<hbm>>) target(%arg7 : memref<2048xf32, #tpu.memory_space<vmem>>) target_semaphore(%arg14 : memref<!tpu.dma_semaphore, #tpu.memory_space<semaphore_mem>>)
    tpu.enqueue_dma source(%arg4 : memref<32xi32, #tpu.memory_space<hbm>>) target(%arg8 : memref<32xi32, #tpu.memory_space<vmem>>) target_semaphore(%arg15 : memref<!tpu.dma_semaphore, #tpu.memory_space<semaphore_mem>>)
    %dma_wait3A = tpu.memref_slice %arg2[%mul3A_0] : memref<32768xi32, #tpu.memory_space<hbm>> -> memref<2048xi32, #tpu.memory_space<hbm>>
    %dma_wait3A_4 = tpu.memref_slice %arg2[%mul3A_0] : memref<32768xi32, #tpu.memory_space<hbm>> -> memref<2048xi32, #tpu.memory_space<hbm>>
    tpu.wait_dma2 semaphore(%arg13 : memref<!tpu.dma_semaphore, #tpu.memory_space<semaphore_mem>>) src(%dma_wait3A_4 : memref<2048xi32, #tpu.memory_space<hbm>>) dst(%arg6 : memref<2048xi32, #tpu.memory_space<vmem>>)
    %dma_wait3A_5 = tpu.memref_slice %arg3[%mul3A_0] : memref<32768xf32, #tpu.memory_space<hbm>> -> memref<2048xf32, #tpu.memory_space<hbm>>
    %dma_wait3A_6 = tpu.memref_slice %arg3[%mul3A_0] : memref<32768xf32, #tpu.memory_space<hbm>> -> memref<2048xf32, #tpu.memory_space<hbm>>
    tpu.wait_dma2 semaphore(%arg14 : memref<!tpu.dma_semaphore, #tpu.memory_space<semaphore_mem>>) src(%dma_wait3A_6 : memref<2048xf32, #tpu.memory_space<hbm>>) dst(%arg7 : memref<2048xf32, #tpu.memory_space<vmem>>)
    tpu.wait_dma2 semaphore(%arg15 : memref<!tpu.dma_semaphore, #tpu.memory_space<semaphore_mem>>) src(%arg4 : memref<32xi32, #tpu.memory_space<hbm>>) dst(%arg8 : memref<32xi32, #tpu.memory_space<vmem>>)
    %iota3A = tpu.iota {dimensions = array<i32: 0>} : vector<16xi32>
    %get3A = arith.constant 0 : index
    %get3A_7 = tpu.vector_load %arg8[%get3A] {strides = array<i32>} : memref<32xi32, #tpu.memory_space<vmem>>, vector<16xi32>,
    %get3A_8 = vector.shape_cast %get3A_7 : vector<16xi32> to vector<16xi32>
    %slice3A = vector.extract_strided_slice %get3A_8 {offsets = [0], sizes = [1], strides = [1]} : vector<16xi32> to vector<1xi32>
    %squeeze3A = vector.extract %slice3A[0] : i32 from vector<1xi32>
    %broadcast_in_dim3A = arith.constant 0.000000e+00 : f32
    %broadcast_in_dim3A_9 = vector.broadcast %broadcast_in_dim3A : f32 to vector<16xf32>
    %sub3A = arith.subi %squeeze3A, %mul3A_0 : i32
    %jit3A = arith.constant 0 : i32
    %jit3A_10 = arith.constant 2048 : i32
    %max3A = arith.maxsi %jit3A, %sub3A : i32
    %min3A = arith.minsi %jit3A_10, %max3A : i32
    %jit3A_11 = arith.constant 16 : i32
    %div3A = arith.divsi %min3A, %jit3A_11 : i32
    %sign3A = arith.constant 0 : i32
    %sign3A_12 = arith.cmpi sgt, %min3A, %sign3A : i32
    %sign3A_13 = arith.extui %sign3A_12 : i1 to i32
    %sign3A_14 = arith.constant 0 : i32
    %sign3A_15 = arith.cmpi slt, %min3A, %sign3A_14 : i32
    %sign3A_16 = arith.extui %sign3A_15 : i1 to i32
    %sign3A_17 = arith.subi %sign3A_13, %sign3A_16 : i32
    %sign3A_18 = arith.constant 0 : i32
    %sign3A_19 = arith.cmpi sgt, %jit3A_11, %sign3A_18 : i32
    %sign3A_20 = arith.extui %sign3A_19 : i1 to i32
    %sign3A_21 = arith.constant 0 : i32
    %sign3A_22 = arith.cmpi slt, %jit3A_11, %sign3A_21 : i32
    %sign3A_23 = arith.extui %sign3A_22 : i1 to i32
    %sign3A_24 = arith.subi %sign3A_20, %sign3A_23 : i32
    %ne3A = arith.cmpi ne, %sign3A_17, %sign3A_24 : i32
    %rem3A = arith.remsi %min3A, %jit3A_11 : i32
    %ne3A_25 = arith.constant 0 : i32
    %ne3A_26 = arith.cmpi ne, %rem3A, %ne3A_25 : i32
    %and3A = arith.andi %ne3A, %ne3A_26 : i1
    %sub3A_27 = arith.constant 1 : i32
    %sub3A_28 = arith.subi %div3A, %sub3A_27 : i32
    %select_n3A = arith.select %and3A, %sub3A_28, %div3A : i32
    %mul3A_29 = arith.constant 16 : i32
    %mul3A_30 = arith.muli %select_n3A, %mul3A_29 : i32
    %sub3A_31 = arith.subi %min3A, %mul3A_30 : i32
    %while3A = arith.constant 0 : i32
    %while3A_32 = arith.subi %select_n3A, %while3A : i32
    %while3A_33 = arith.addi %while3A, %while3A_32 : i32
    %while3A_34 = arith.constant 1 : i32
    %while3A_35 = arith.divsi %while3A_32, %while3A_34 : i32
    %while3A_36 = arith.muli %while3A_35, %while3A_34 : i32
    %while3A_37 = arith.addi %while3A, %while3A_36 : i32
    %while3A_38 = arith.constant 1 : i32
    %while3A_39:16 = scf.for %while3A_812 = %while3A to %while3A_37 step %while3A_38 iter_args(%while3A_813 = %broadcast_in_dim3A_9, %while3A_814 = %broadcast_in_dim3A_9, %while3A_815 = %broadcast_in_dim3A_9, %while3A_816 = %broadcast_in_dim3A_9, %while3A_817 = %broadcast_in_dim3A_9, %while3A_818 = %broadcast_in_dim3A_9, %while3A_819 = %broadcast_in_dim3A_9, %while3A_820 = %broadcast_in_dim3A_9, %while3A_821 = %broadcast_in_dim3A_9, %while3A_822 = %broadcast_in_dim3A_9, %while3A_823 = %broadcast_in_dim3A_9, %while3A_824 = %broadcast_in_dim3A_9, %while3A_825 = %broadcast_in_dim3A_9, %while3A_826 = %broadcast_in_dim3A_9, %while3A_827 = %broadcast_in_dim3A_9, %while3A_828 = %broadcast_in_dim3A_9) -> (vector<16xf32>, vector<16xf32>, vector<16xf32>, vector<16xf32>, vector<16xf32>, vector<16xf32>, vector<16xf32>, vector<16xf32>, vector<16xf32>, vector<16xf32>, vector<16xf32>, vector<16xf32>, vector<16xf32>, vector<16xf32>, vector<16xf32>, vector<16xf32>)  : i32 {
      %mul3A_829 = arith.constant 16 : i32
      %mul3A_830 = arith.muli %while3A_812, %mul3A_829 : i32
      %get3A_831 = arith.index_cast %mul3A_830 : i32 to index
      %get3A_832 = tpu.vector_load %arg6[%get3A_831] {strides = array<i32>} : memref<2048xi32, #tpu.memory_space<vmem>>, vector<16xi32>,
      %get3A_833 = vector.shape_cast %get3A_832 : vector<16xi32> to vector<16xi32>
      %get3A_834 = arith.index_cast %mul3A_830 : i32 to index
      %get3A_835 = tpu.vector_load %arg7[%get3A_834] {strides = array<i32>} : memref<2048xf32, #tpu.memory_space<vmem>>, vector<16xf32>,
      %get3A_836 = vector.shape_cast %get3A_835 : vector<16xf32> to vector<16xf32>
      %eq3A_837 = arith.constant 0 : i32
      %eq3A_838 = vector.broadcast %eq3A_837 : i32 to vector<16xi32>
      %eq3A_839 = arith.cmpi eq, %get3A_833, %eq3A_838 : vector<16xi32>
      %add3A_840 = arith.addf %while3A_813, %get3A_836 : vector<16xf32>
      %select_n3A_841 = arith.select %eq3A_839, %add3A_840, %while3A_813 : vector<16xi1>, vector<16xf32>
      %eq3A_842 = arith.constant 1 : i32
      %eq3A_843 = vector.broadcast %eq3A_842 : i32 to vector<16xi32>
      %eq3A_844 = arith.cmpi eq, %get3A_833, %eq3A_843 : vector<16xi32>
      %add3A_845 = arith.addf %while3A_814, %get3A_836 : vector<16xf32>
      %select_n3A_846 = arith.select %eq3A_844, %add3A_845, %while3A_814 : vector<16xi1>, vector<16xf32>
      %eq3A_847 = arith.constant 2 : i32
      %eq3A_848 = vector.broadcast %eq3A_847 : i32 to vector<16xi32>
      %eq3A_849 = arith.cmpi eq, %get3A_833, %eq3A_848 : vector<16xi32>
      %add3A_850 = arith.addf %while3A_815, %get3A_836 : vector<16xf32>
      %select_n3A_851 = arith.select %eq3A_849, %add3A_850, %while3A_815 : vector<16xi1>, vector<16xf32>
      %eq3A_852 = arith.constant 3 : i32
      %eq3A_853 = vector.broadcast %eq3A_852 : i32 to vector<16xi32>
      %eq3A_854 = arith.cmpi eq, %get3A_833, %eq3A_853 : vector<16xi32>
      %add3A_855 = arith.addf %while3A_816, %get3A_836 : vector<16xf32>
      %select_n3A_856 = arith.select %eq3A_854, %add3A_855, %while3A_816 : vector<16xi1>, vector<16xf32>
      %eq3A_857 = arith.constant 4 : i32
      %eq3A_858 = vector.broadcast %eq3A_857 : i32 to vector<16xi32>
      %eq3A_859 = arith.cmpi eq, %get3A_833, %eq3A_858 : vector<16xi32>
      %add3A_860 = arith.addf %while3A_817, %get3A_836 : vector<16xf32>
      %select_n3A_861 = arith.select %eq3A_859, %add3A_860, %while3A_817 : vector<16xi1>, vector<16xf32>
      %eq3A_862 = arith.constant 5 : i32
      %eq3A_863 = vector.broadcast %eq3A_862 : i32 to vector<16xi32>
      %eq3A_864 = arith.cmpi eq, %get3A_833, %eq3A_863 : vector<16xi32>
      %add3A_865 = arith.addf %while3A_818, %get3A_836 : vector<16xf32>
      %select_n3A_866 = arith.select %eq3A_864, %add3A_865, %while3A_818 : vector<16xi1>, vector<16xf32>
      %eq3A_867 = arith.constant 6 : i32
      %eq3A_868 = vector.broadcast %eq3A_867 : i32 to vector<16xi32>
      %eq3A_869 = arith.cmpi eq, %get3A_833, %eq3A_868 : vector<16xi32>
      %add3A_870 = arith.addf %while3A_819, %get3A_836 : vector<16xf32>
      %select_n3A_871 = arith.select %eq3A_869, %add3A_870, %while3A_819 : vector<16xi1>, vector<16xf32>
      %eq3A_872 = arith.constant 7 : i32
      %eq3A_873 = vector.broadcast %eq3A_872 : i32 to vector<16xi32>
      %eq3A_874 = arith.cmpi eq, %get3A_833, %eq3A_873 : vector<16xi32>
      %add3A_875 = arith.addf %while3A_820, %get3A_836 : vector<16xf32>
      %select_n3A_876 = arith.select %eq3A_874, %add3A_875, %while3A_820 : vector<16xi1>, vector<16xf32>
      %eq3A_877 = arith.constant 8 : i32
      %eq3A_878 = vector.broadcast %eq3A_877 : i32 to vector<16xi32>
      %eq3A_879 = arith.cmpi eq, %get3A_833, %eq3A_878 : vector<16xi32>
      %add3A_880 = arith.addf %while3A_821, %get3A_836 : vector<16xf32>
      %select_n3A_881 = arith.select %eq3A_879, %add3A_880, %while3A_821 : vector<16xi1>, vector<16xf32>
      %eq3A_882 = arith.constant 9 : i32
      %eq3A_883 = vector.broadcast %eq3A_882 : i32 to vector<16xi32>
      %eq3A_884 = arith.cmpi eq, %get3A_833, %eq3A_883 : vector<16xi32>
      %add3A_885 = arith.addf %while3A_822, %get3A_836 : vector<16xf32>
      %select_n3A_886 = arith.select %eq3A_884, %add3A_885, %while3A_822 : vector<16xi1>, vector<16xf32>
      %eq3A_887 = arith.constant 10 : i32
      %eq3A_888 = vector.broadcast %eq3A_887 : i32 to vector<16xi32>
      %eq3A_889 = arith.cmpi eq, %get3A_833, %eq3A_888 : vector<16xi32>
      %add3A_890 = arith.addf %while3A_823, %get3A_836 : vector<16xf32>
      %select_n3A_891 = arith.select %eq3A_889, %add3A_890, %while3A_823 : vector<16xi1>, vector<16xf32>
      %eq3A_892 = arith.constant 11 : i32
      %eq3A_893 = vector.broadcast %eq3A_892 : i32 to vector<16xi32>
      %eq3A_894 = arith.cmpi eq, %get3A_833, %eq3A_893 : vector<16xi32>
      %add3A_895 = arith.addf %while3A_824, %get3A_836 : vector<16xf32>
      %select_n3A_896 = arith.select %eq3A_894, %add3A_895, %while3A_824 : vector<16xi1>, vector<16xf32>
      %eq3A_897 = arith.constant 12 : i32
      %eq3A_898 = vector.broadcast %eq3A_897 : i32 to vector<16xi32>
      %eq3A_899 = arith.cmpi eq, %get3A_833, %eq3A_898 : vector<16xi32>
      %add3A_900 = arith.addf %while3A_825, %get3A_836 : vector<16xf32>
      %select_n3A_901 = arith.select %eq3A_899, %add3A_900, %while3A_825 : vector<16xi1>, vector<16xf32>
      %eq3A_902 = arith.constant 13 : i32
      %eq3A_903 = vector.broadcast %eq3A_902 : i32 to vector<16xi32>
      %eq3A_904 = arith.cmpi eq, %get3A_833, %eq3A_903 : vector<16xi32>
      %add3A_905 = arith.addf %while3A_826, %get3A_836 : vector<16xf32>
      %select_n3A_906 = arith.select %eq3A_904, %add3A_905, %while3A_826 : vector<16xi1>, vector<16xf32>
      %eq3A_907 = arith.constant 14 : i32
      %eq3A_908 = vector.broadcast %eq3A_907 : i32 to vector<16xi32>
      %eq3A_909 = arith.cmpi eq, %get3A_833, %eq3A_908 : vector<16xi32>
      %add3A_910 = arith.addf %while3A_827, %get3A_836 : vector<16xf32>
      %select_n3A_911 = arith.select %eq3A_909, %add3A_910, %while3A_827 : vector<16xi1>, vector<16xf32>
      %eq3A_912 = arith.constant 15 : i32
      %eq3A_913 = vector.broadcast %eq3A_912 : i32 to vector<16xi32>
      %eq3A_914 = arith.cmpi eq, %get3A_833, %eq3A_913 : vector<16xi32>
      %add3A_915 = arith.addf %while3A_828, %get3A_836 : vector<16xf32>
      %select_n3A_916 = arith.select %eq3A_914, %add3A_915, %while3A_828 : vector<16xi1>, vector<16xf32>
      scf.yield %select_n3A_841, %select_n3A_846, %select_n3A_851, %select_n3A_856, %select_n3A_861, %select_n3A_866, %select_n3A_871, %select_n3A_876, %select_n3A_881, %select_n3A_886, %select_n3A_891, %select_n3A_896, %select_n3A_901, %select_n3A_906, %select_n3A_911, %select_n3A_916 : vector<16xf32>, vector<16xf32>, vector<16xf32>, vector<16xf32>, vector<16xf32>, vector<16xf32>, vector<16xf32>, vector<16xf32>, vector<16xf32>, vector<16xf32>, vector<16xf32>, vector<16xf32>, vector<16xf32>, vector<16xf32>, vector<16xf32>, vector<16xf32>
    }
    %while3A_40 = arith.constant 1 : i32
    %while3A_41:16 = scf.for %while3A_812 = %while3A_37 to %while3A_33 step %while3A_40 iter_args(%while3A_813 = %while3A_39#0, %while3A_814 = %while3A_39#1, %while3A_815 = %while3A_39#2, %while3A_816 = %while3A_39#3, %while3A_817 = %while3A_39#4, %while3A_818 = %while3A_39#5, %while3A_819 = %while3A_39#6, %while3A_820 = %while3A_39#7, %while3A_821 = %while3A_39#8, %while3A_822 = %while3A_39#9, %while3A_823 = %while3A_39#10, %while3A_824 = %while3A_39#11, %while3A_825 = %while3A_39#12, %while3A_826 = %while3A_39#13, %while3A_827 = %while3A_39#14, %while3A_828 = %while3A_39#15) -> (vector<16xf32>, vector<16xf32>, vector<16xf32>, vector<16xf32>, vector<16xf32>, vector<16xf32>, vector<16xf32>, vector<16xf32>, vector<16xf32>, vector<16xf32>, vector<16xf32>, vector<16xf32>, vector<16xf32>, vector<16xf32>, vector<16xf32>, vector<16xf32>)  : i32 {
      %mul3A_829 = arith.constant 16 : i32
      %mul3A_830 = arith.muli %while3A_812, %mul3A_829 : i32
      %get3A_831 = arith.index_cast %mul3A_830 : i32 to index
      %get3A_832 = tpu.vector_load %arg6[%get3A_831] {strides = array<i32>} : memref<2048xi32, #tpu.memory_space<vmem>>, vector<16xi32>,
      %get3A_833 = vector.shape_cast %get3A_832 : vector<16xi32> to vector<16xi32>
      %get3A_834 = arith.index_cast %mul3A_830 : i32 to index
      %get3A_835 = tpu.vector_load %arg7[%get3A_834] {strides = array<i32>} : memref<2048xf32, #tpu.memory_space<vmem>>, vector<16xf32>,
      %get3A_836 = vector.shape_cast %get3A_835 : vector<16xf32> to vector<16xf32>
      %eq3A_837 = arith.constant 0 : i32
      %eq3A_838 = vector.broadcast %eq3A_837 : i32 to vector<16xi32>
      %eq3A_839 = arith.cmpi eq, %get3A_833, %eq3A_838 : vector<16xi32>
      %add3A_840 = arith.addf %while3A_813, %get3A_836 : vector<16xf32>
      %select_n3A_841 = arith.select %eq3A_839, %add3A_840, %while3A_813 : vector<16xi1>, vector<16xf32>
      %eq3A_842 = arith.constant 1 : i32
      %eq3A_843 = vector.broadcast %eq3A_842 : i32 to vector<16xi32>
      %eq3A_844 = arith.cmpi eq, %get3A_833, %eq3A_843 : vector<16xi32>
      %add3A_845 = arith.addf %while3A_814, %get3A_836 : vector<16xf32>
      %select_n3A_846 = arith.select %eq3A_844, %add3A_845, %while3A_814 : vector<16xi1>, vector<16xf32>
      %eq3A_847 = arith.constant 2 : i32
      %eq3A_848 = vector.broadcast %eq3A_847 : i32 to vector<16xi32>
      %eq3A_849 = arith.cmpi eq, %get3A_833, %eq3A_848 : vector<16xi32>
      %add3A_850 = arith.addf %while3A_815, %get3A_836 : vector<16xf32>
      %select_n3A_851 = arith.select %eq3A_849, %add3A_850, %while3A_815 : vector<16xi1>, vector<16xf32>
      %eq3A_852 = arith.constant 3 : i32
      %eq3A_853 = vector.broadcast %eq3A_852 : i32 to vector<16xi32>
      %eq3A_854 = arith.cmpi eq, %get3A_833, %eq3A_853 : vector<16xi32>
      %add3A_855 = arith.addf %while3A_816, %get3A_836 : vector<16xf32>
      %select_n3A_856 = arith.select %eq3A_854, %add3A_855, %while3A_816 : vector<16xi1>, vector<16xf32>
      %eq3A_857 = arith.constant 4 : i32
      %eq3A_858 = vector.broadcast %eq3A_857 : i32 to vector<16xi32>
      %eq3A_859 = arith.cmpi eq, %get3A_833, %eq3A_858 : vector<16xi32>
      %add3A_860 = arith.addf %while3A_817, %get3A_836 : vector<16xf32>
      %select_n3A_861 = arith.select %eq3A_859, %add3A_860, %while3A_817 : vector<16xi1>, vector<16xf32>
      %eq3A_862 = arith.constant 5 : i32
      %eq3A_863 = vector.broadcast %eq3A_862 : i32 to vector<16xi32>
      %eq3A_864 = arith.cmpi eq, %get3A_833, %eq3A_863 : vector<16xi32>
      %add3A_865 = arith.addf %while3A_818, %get3A_836 : vector<16xf32>
      %select_n3A_866 = arith.select %eq3A_864, %add3A_865, %while3A_818 : vector<16xi1>, vector<16xf32>
      %eq3A_867 = arith.constant 6 : i32
      %eq3A_868 = vector.broadcast %eq3A_867 : i32 to vector<16xi32>
      %eq3A_869 = arith.cmpi eq, %get3A_833, %eq3A_868 : vector<16xi32>
      %add3A_870 = arith.addf %while3A_819, %get3A_836 : vector<16xf32>
      %select_n3A_871 = arith.select %eq3A_869, %add3A_870, %while3A_819 : vector<16xi1>, vector<16xf32>
      %eq3A_872 = arith.constant 7 : i32
      %eq3A_873 = vector.broadcast %eq3A_872 : i32 to vector<16xi32>
      %eq3A_874 = arith.cmpi eq, %get3A_833, %eq3A_873 : vector<16xi32>
      %add3A_875 = arith.addf %while3A_820, %get3A_836 : vector<16xf32>
      %select_n3A_876 = arith.select %eq3A_874, %add3A_875, %while3A_820 : vector<16xi1>, vector<16xf32>
      %eq3A_877 = arith.constant 8 : i32
      %eq3A_878 = vector.broadcast %eq3A_877 : i32 to vector<16xi32>
      %eq3A_879 = arith.cmpi eq, %get3A_833, %eq3A_878 : vector<16xi32>
      %add3A_880 = arith.addf %while3A_821, %get3A_836 : vector<16xf32>
      %select_n3A_881 = arith.select %eq3A_879, %add3A_880, %while3A_821 : vector<16xi1>, vector<16xf32>
      %eq3A_882 = arith.constant 9 : i32
      %eq3A_883 = vector.broadcast %eq3A_882 : i32 to vector<16xi32>
      %eq3A_884 = arith.cmpi eq, %get3A_833, %eq3A_883 : vector<16xi32>
      %add3A_885 = arith.addf %while3A_822, %get3A_836 : vector<16xf32>
      %select_n3A_886 = arith.select %eq3A_884, %add3A_885, %while3A_822 : vector<16xi1>, vector<16xf32>
      %eq3A_887 = arith.constant 10 : i32
      %eq3A_888 = vector.broadcast %eq3A_887 : i32 to vector<16xi32>
      %eq3A_889 = arith.cmpi eq, %get3A_833, %eq3A_888 : vector<16xi32>
      %add3A_890 = arith.addf %while3A_823, %get3A_836 : vector<16xf32>
      %select_n3A_891 = arith.select %eq3A_889, %add3A_890, %while3A_823 : vector<16xi1>, vector<16xf32>
      %eq3A_892 = arith.constant 11 : i32
      %eq3A_893 = vector.broadcast %eq3A_892 : i32 to vector<16xi32>
      %eq3A_894 = arith.cmpi eq, %get3A_833, %eq3A_893 : vector<16xi32>
      %add3A_895 = arith.addf %while3A_824, %get3A_836 : vector<16xf32>
      %select_n3A_896 = arith.select %eq3A_894, %add3A_895, %while3A_824 : vector<16xi1>, vector<16xf32>
      %eq3A_897 = arith.constant 12 : i32
      %eq3A_898 = vector.broadcast %eq3A_897 : i32 to vector<16xi32>
      %eq3A_899 = arith.cmpi eq, %get3A_833, %eq3A_898 : vector<16xi32>
      %add3A_900 = arith.addf %while3A_825, %get3A_836 : vector<16xf32>
      %select_n3A_901 = arith.select %eq3A_899, %add3A_900, %while3A_825 : vector<16xi1>, vector<16xf32>
      %eq3A_902 = arith.constant 13 : i32
      %eq3A_903 = vector.broadcast %eq3A_902 : i32 to vector<16xi32>
      %eq3A_904 = arith.cmpi eq, %get3A_833, %eq3A_903 : vector<16xi32>
      %add3A_905 = arith.addf %while3A_826, %get3A_836 : vector<16xf32>
      %select_n3A_906 = arith.select %eq3A_904, %add3A_905, %while3A_826 : vector<16xi1>, vector<16xf32>
      %eq3A_907 = arith.constant 14 : i32
      %eq3A_908 = vector.broadcast %eq3A_907 : i32 to vector<16xi32>
      %eq3A_909 = arith.cmpi eq, %get3A_833, %eq3A_908 : vector<16xi32>
      %add3A_910 = arith.addf %while3A_827, %get3A_836 : vector<16xf32>
      %select_n3A_911 = arith.select %eq3A_909, %add3A_910, %while3A_827 : vector<16xi1>, vector<16xf32>
      %eq3A_912 = arith.constant 15 : i32
      %eq3A_913 = vector.broadcast %eq3A_912 : i32 to vector<16xi32>
      %eq3A_914 = arith.cmpi eq, %get3A_833, %eq3A_913 : vector<16xi32>
      %add3A_915 = arith.addf %while3A_828, %get3A_836 : vector<16xf32>
      %select_n3A_916 = arith.select %eq3A_914, %add3A_915, %while3A_828 : vector<16xi1>, vector<16xf32>
      scf.yield %select_n3A_841, %select_n3A_846, %select_n3A_851, %select_n3A_856, %select_n3A_861, %select_n3A_866, %select_n3A_871, %select_n3A_876, %select_n3A_881, %select_n3A_886, %select_n3A_891, %select_n3A_896, %select_n3A_901, %select_n3A_906, %select_n3A_911, %select_n3A_916 : vector<16xf32>, vector<16xf32>, vector<16xf32>, vector<16xf32>, vector<16xf32>, vector<16xf32>, vector<16xf32>, vector<16xf32>, vector<16xf32>, vector<16xf32>, vector<16xf32>, vector<16xf32>, vector<16xf32>, vector<16xf32>, vector<16xf32>, vector<16xf32>
    }
    %min3A_42 = arith.constant 127 : i32
    %min3A_43 = arith.minsi %select_n3A, %min3A_42 : i32
    %mul3A_44 = arith.constant 16 : i32
    %mul3A_45 = arith.muli %min3A_43, %mul3A_44 : i32
    %get3A_46 = arith.index_cast %mul3A_45 : i32 to index
    %get3A_47 = tpu.vector_load %arg6[%get3A_46] {strides = array<i32>} : memref<2048xi32, #tpu.memory_space<vmem>>, vector<16xi32>,
    %get3A_48 = vector.shape_cast %get3A_47 : vector<16xi32> to vector<16xi32>
    %lt3A = vector.broadcast %sub3A_31 : i32 to vector<16xi32>
    %lt3A_49 = arith.cmpi slt, %iota3A, %lt3A : vector<16xi32>
    %get3A_50 = arith.index_cast %mul3A_45 : i32 to index
    %get3A_51 = tpu.vector_load %arg7[%get3A_50] {strides = array<i32>} : memref<2048xf32, #tpu.memory_space<vmem>>, vector<16xf32>,
    %get3A_52 = vector.shape_cast %get3A_51 : vector<16xf32> to vector<16xf32>
    %select_n3A_53 = arith.select %lt3A_49, %get3A_52, %broadcast_in_dim3A_9 : vector<16xi1>, vector<16xf32>
    %eq3A = arith.constant 0 : i32
    %eq3A_54 = vector.broadcast %eq3A : i32 to vector<16xi32>
    %eq3A_55 = arith.cmpi eq, %get3A_48, %eq3A_54 : vector<16xi32>
    %add3A = arith.addf %while3A_41#0, %select_n3A_53 : vector<16xf32>
    %select_n3A_56 = arith.select %eq3A_55, %add3A, %while3A_41#0 : vector<16xi1>, vector<16xf32>
    %eq3A_57 = arith.constant 1 : i32
    %eq3A_58 = vector.broadcast %eq3A_57 : i32 to vector<16xi32>
    %eq3A_59 = arith.cmpi eq, %get3A_48, %eq3A_58 : vector<16xi32>
    %add3A_60 = arith.addf %while3A_41#1, %select_n3A_53 : vector<16xf32>
    %select_n3A_61 = arith.select %eq3A_59, %add3A_60, %while3A_41#1 : vector<16xi1>, vector<16xf32>
    %eq3A_62 = arith.constant 2 : i32
    %eq3A_63 = vector.broadcast %eq3A_62 : i32 to vector<16xi32>
    %eq3A_64 = arith.cmpi eq, %get3A_48, %eq3A_63 : vector<16xi32>
    %add3A_65 = arith.addf %while3A_41#2, %select_n3A_53 : vector<16xf32>
    %select_n3A_66 = arith.select %eq3A_64, %add3A_65, %while3A_41#2 : vector<16xi1>, vector<16xf32>
    %eq3A_67 = arith.constant 3 : i32
    %eq3A_68 = vector.broadcast %eq3A_67 : i32 to vector<16xi32>
    %eq3A_69 = arith.cmpi eq, %get3A_48, %eq3A_68 : vector<16xi32>
    %add3A_70 = arith.addf %while3A_41#3, %select_n3A_53 : vector<16xf32>
    %select_n3A_71 = arith.select %eq3A_69, %add3A_70, %while3A_41#3 : vector<16xi1>, vector<16xf32>
    %eq3A_72 = arith.constant 4 : i32
    %eq3A_73 = vector.broadcast %eq3A_72 : i32 to vector<16xi32>
    %eq3A_74 = arith.cmpi eq, %get3A_48, %eq3A_73 : vector<16xi32>
    %add3A_75 = arith.addf %while3A_41#4, %select_n3A_53 : vector<16xf32>
    %select_n3A_76 = arith.select %eq3A_74, %add3A_75, %while3A_41#4 : vector<16xi1>, vector<16xf32>
    %eq3A_77 = arith.constant 5 : i32
    %eq3A_78 = vector.broadcast %eq3A_77 : i32 to vector<16xi32>
    %eq3A_79 = arith.cmpi eq, %get3A_48, %eq3A_78 : vector<16xi32>
    %add3A_80 = arith.addf %while3A_41#5, %select_n3A_53 : vector<16xf32>
    %select_n3A_81 = arith.select %eq3A_79, %add3A_80, %while3A_41#5 : vector<16xi1>, vector<16xf32>
    %eq3A_82 = arith.constant 6 : i32
    %eq3A_83 = vector.broadcast %eq3A_82 : i32 to vector<16xi32>
    %eq3A_84 = arith.cmpi eq, %get3A_48, %eq3A_83 : vector<16xi32>
    %add3A_85 = arith.addf %while3A_41#6, %select_n3A_53 : vector<16xf32>
    %select_n3A_86 = arith.select %eq3A_84, %add3A_85, %while3A_41#6 : vector<16xi1>, vector<16xf32>
    %eq3A_87 = arith.constant 7 : i32
    %eq3A_88 = vector.broadcast %eq3A_87 : i32 to vector<16xi32>
    %eq3A_89 = arith.cmpi eq, %get3A_48, %eq3A_88 : vector<16xi32>
    %add3A_90 = arith.addf %while3A_41#7, %select_n3A_53 : vector<16xf32>
    %select_n3A_91 = arith.select %eq3A_89, %add3A_90, %while3A_41#7 : vector<16xi1>, vector<16xf32>
    %eq3A_92 = arith.constant 8 : i32
    %eq3A_93 = vector.broadcast %eq3A_92 : i32 to vector<16xi32>
    %eq3A_94 = arith.cmpi eq, %get3A_48, %eq3A_93 : vector<16xi32>
    %add3A_95 = arith.addf %while3A_41#8, %select_n3A_53 : vector<16xf32>
    %select_n3A_96 = arith.select %eq3A_94, %add3A_95, %while3A_41#8 : vector<16xi1>, vector<16xf32>
    %eq3A_97 = arith.constant 9 : i32
    %eq3A_98 = vector.broadcast %eq3A_97 : i32 to vector<16xi32>
    %eq3A_99 = arith.cmpi eq, %get3A_48, %eq3A_98 : vector<16xi32>
    %add3A_100 = arith.addf %while3A_41#9, %select_n3A_53 : vector<16xf32>
    %select_n3A_101 = arith.select %eq3A_99, %add3A_100, %while3A_41#9 : vector<16xi1>, vector<16xf32>
    %eq3A_102 = arith.constant 10 : i32
    %eq3A_103 = vector.broadcast %eq3A_102 : i32 to vector<16xi32>
    %eq3A_104 = arith.cmpi eq, %get3A_48, %eq3A_103 : vector<16xi32>
    %add3A_105 = arith.addf %while3A_41#10, %select_n3A_53 : vector<16xf32>
    %select_n3A_106 = arith.select %eq3A_104, %add3A_105, %while3A_41#10 : vector<16xi1>, vector<16xf32>
    %eq3A_107 = arith.constant 11 : i32
    %eq3A_108 = vector.broadcast %eq3A_107 : i32 to vector<16xi32>
    %eq3A_109 = arith.cmpi eq, %get3A_48, %eq3A_108 : vector<16xi32>
    %add3A_110 = arith.addf %while3A_41#11, %select_n3A_53 : vector<16xf32>
    %select_n3A_111 = arith.select %eq3A_109, %add3A_110, %while3A_41#11 : vector<16xi1>, vector<16xf32>
    %eq3A_112 = arith.constant 12 : i32
    %eq3A_113 = vector.broadcast %eq3A_112 : i32 to vector<16xi32>
    %eq3A_114 = arith.cmpi eq, %get3A_48, %eq3A_113 : vector<16xi32>
    %add3A_115 = arith.addf %while3A_41#12, %select_n3A_53 : vector<16xf32>
    %select_n3A_116 = arith.select %eq3A_114, %add3A_115, %while3A_41#12 : vector<16xi1>, vector<16xf32>
    %eq3A_117 = arith.constant 13 : i32
    %eq3A_118 = vector.broadcast %eq3A_117 : i32 to vector<16xi32>
    %eq3A_119 = arith.cmpi eq, %get3A_48, %eq3A_118 : vector<16xi32>
    %add3A_120 = arith.addf %while3A_41#13, %select_n3A_53 : vector<16xf32>
    %select_n3A_121 = arith.select %eq3A_119, %add3A_120, %while3A_41#13 : vector<16xi1>, vector<16xf32>
    %eq3A_122 = arith.constant 14 : i32
    %eq3A_123 = vector.broadcast %eq3A_122 : i32 to vector<16xi32>
    %eq3A_124 = arith.cmpi eq, %get3A_48, %eq3A_123 : vector<16xi32>
    %add3A_125 = arith.addf %while3A_41#14, %select_n3A_53 : vector<16xf32>
    %select_n3A_126 = arith.select %eq3A_124, %add3A_125, %while3A_41#14 : vector<16xi1>, vector<16xf32>
    %eq3A_127 = arith.constant 15 : i32
    %eq3A_128 = vector.broadcast %eq3A_127 : i32 to vector<16xi32>
    %eq3A_129 = arith.cmpi eq, %get3A_48, %eq3A_128 : vector<16xi32>
    %add3A_130 = arith.addf %while3A_41#15, %select_n3A_53 : vector<16xf32>
    %select_n3A_131 = arith.select %eq3A_129, %add3A_130, %while3A_41#15 : vector<16xi1>, vector<16xf32>
    %swap3A = arith.constant 0 : index
    %swap3A_132 = tpu.vector_load %arg10[%swap3A] {strides = array<i32>} : memref<512xf32, #tpu.memory_space<vmem>>, vector<16xf32>,
    %swap3A_133 = vector.shape_cast %swap3A_132 : vector<16xf32> to vector<16xf32>
    %swap3A_134 = vector.shape_cast %select_n3A_56 : vector<16xf32> to vector<16xf32>
    tpu.vector_store %arg10[%swap3A], %swap3A_134 {strides = array<i32>} : memref<512xf32, #tpu.memory_space<vmem>>, vector<16xf32>,
    %get3A_135 = arith.constant 8 : index
    %get3A_136 = tpu.vector_load %arg10[%get3A_135] {strides = array<i32>} : memref<512xf32, #tpu.memory_space<vmem>>, vector<16xf32>,
    %get3A_137 = vector.shape_cast %get3A_136 : vector<16xf32> to vector<16xf32>
    %add3A_138 = arith.addf %select_n3A_56, %get3A_137 : vector<16xf32>
    %swap3A_139 = arith.constant 0 : index
    %swap3A_140 = tpu.vector_load %arg10[%swap3A_139] {strides = array<i32>} : memref<512xf32, #tpu.memory_space<vmem>>, vector<16xf32>,
    %swap3A_141 = vector.shape_cast %swap3A_140 : vector<16xf32> to vector<16xf32>
    %swap3A_142 = vector.shape_cast %add3A_138 : vector<16xf32> to vector<16xf32>
    tpu.vector_store %arg10[%swap3A_139], %swap3A_142 {strides = array<i32>} : memref<512xf32, #tpu.memory_space<vmem>>, vector<16xf32>,
    %get3A_143 = arith.constant 4 : index
    %get3A_144 = tpu.vector_load %arg10[%get3A_143] {strides = array<i32>} : memref<512xf32, #tpu.memory_space<vmem>>, vector<16xf32>,
    %get3A_145 = vector.shape_cast %get3A_144 : vector<16xf32> to vector<16xf32>
    %add3A_146 = arith.addf %add3A_138, %get3A_145 : vector<16xf32>
    %swap3A_147 = arith.constant 0 : index
    %swap3A_148 = tpu.vector_load %arg10[%swap3A_147] {strides = array<i32>} : memref<512xf32, #tpu.memory_space<vmem>>, vector<16xf32>,
    %swap3A_149 = vector.shape_cast %swap3A_148 : vector<16xf32> to vector<16xf32>
    %swap3A_150 = vector.shape_cast %add3A_146 : vector<16xf32> to vector<16xf32>
    tpu.vector_store %arg10[%swap3A_147], %swap3A_150 {strides = array<i32>} : memref<512xf32, #tpu.memory_space<vmem>>, vector<16xf32>,
    %get3A_151 = arith.constant 2 : index
    %get3A_152 = tpu.vector_load %arg10[%get3A_151] {strides = array<i32>} : memref<512xf32, #tpu.memory_space<vmem>>, vector<16xf32>,
    %get3A_153 = vector.shape_cast %get3A_152 : vector<16xf32> to vector<16xf32>
    %add3A_154 = arith.addf %add3A_146, %get3A_153 : vector<16xf32>
    %swap3A_155 = arith.constant 0 : index
    %swap3A_156 = tpu.vector_load %arg10[%swap3A_155] {strides = array<i32>} : memref<512xf32, #tpu.memory_space<vmem>>, vector<16xf32>,
    %swap3A_157 = vector.shape_cast %swap3A_156 : vector<16xf32> to vector<16xf32>
    %swap3A_158 = vector.shape_cast %add3A_154 : vector<16xf32> to vector<16xf32>
    tpu.vector_store %arg10[%swap3A_155], %swap3A_158 {strides = array<i32>} : memref<512xf32, #tpu.memory_space<vmem>>, vector<16xf32>,
    %get3A_159 = arith.constant 1 : index
    %get3A_160 = tpu.vector_load %arg10[%get3A_159] {strides = array<i32>} : memref<512xf32, #tpu.memory_space<vmem>>, vector<16xf32>,
    %get3A_161 = vector.shape_cast %get3A_160 : vector<16xf32> to vector<16xf32>
    %add3A_162 = arith.addf %add3A_154, %get3A_161 : vector<16xf32>
    %eq3A_163 = arith.constant 0 : i32
    %eq3A_164 = vector.broadcast %eq3A_163 : i32 to vector<16xi32>
    %eq3A_165 = arith.cmpi eq, %iota3A, %eq3A_164 : vector<16xi32>
    %slice3A_166 = vector.extract_strided_slice %add3A_162 {offsets = [0], sizes = [1], strides = [1]} : vector<16xf32> to vector<1xf32>
    %squeeze3A_167 = vector.extract %slice3A_166[0] : f32 from vector<1xf32>
    %jit3A_168 = arith.constant 0.000000e+00 : f32
    %broadcast_in_dim3A_169 = vector.broadcast %squeeze3A_167 : f32 to vector<16xf32>
    %broadcast_in_dim3A_170 = vector.broadcast %jit3A_168 : f32 to vector<16xf32>
    %select_n3A_171 = arith.select %eq3A_165, %broadcast_in_dim3A_169, %broadcast_in_dim3A_170 : vector<16xi1>, vector<16xf32>
    %add3A_172 = arith.addf %broadcast_in_dim3A_9, %select_n3A_171 : vector<16xf32>
    %swap3A_173 = arith.constant 32 : index
    %swap3A_174 = tpu.vector_load %arg10[%swap3A_173] {strides = array<i32>} : memref<512xf32, #tpu.memory_space<vmem>>, vector<16xf32>,
    %swap3A_175 = vector.shape_cast %swap3A_174 : vector<16xf32> to vector<16xf32>
    %swap3A_176 = vector.shape_cast %select_n3A_61 : vector<16xf32> to vector<16xf32>
    tpu.vector_store %arg10[%swap3A_173], %swap3A_176 {strides = array<i32>} : memref<512xf32, #tpu.memory_space<vmem>>, vector<16xf32>,
    %get3A_177 = arith.constant 40 : index
    %get3A_178 = tpu.vector_load %arg10[%get3A_177] {strides = array<i32>} : memref<512xf32, #tpu.memory_space<vmem>>, vector<16xf32>,
    %get3A_179 = vector.shape_cast %get3A_178 : vector<16xf32> to vector<16xf32>
    %add3A_180 = arith.addf %select_n3A_61, %get3A_179 : vector<16xf32>
    %swap3A_181 = arith.constant 32 : index
    %swap3A_182 = tpu.vector_load %arg10[%swap3A_181] {strides = array<i32>} : memref<512xf32, #tpu.memory_space<vmem>>, vector<16xf32>,
    %swap3A_183 = vector.shape_cast %swap3A_182 : vector<16xf32> to vector<16xf32>
    %swap3A_184 = vector.shape_cast %add3A_180 : vector<16xf32> to vector<16xf32>
    tpu.vector_store %arg10[%swap3A_181], %swap3A_184 {strides = array<i32>} : memref<512xf32, #tpu.memory_space<vmem>>, vector<16xf32>,
    %get3A_185 = arith.constant 36 : index
    %get3A_186 = tpu.vector_load %arg10[%get3A_185] {strides = array<i32>} : memref<512xf32, #tpu.memory_space<vmem>>, vector<16xf32>,
    %get3A_187 = vector.shape_cast %get3A_186 : vector<16xf32> to vector<16xf32>
    %add3A_188 = arith.addf %add3A_180, %get3A_187 : vector<16xf32>
    %swap3A_189 = arith.constant 32 : index
    %swap3A_190 = tpu.vector_load %arg10[%swap3A_189] {strides = array<i32>} : memref<512xf32, #tpu.memory_space<vmem>>, vector<16xf32>,
    %swap3A_191 = vector.shape_cast %swap3A_190 : vector<16xf32> to vector<16xf32>
    %swap3A_192 = vector.shape_cast %add3A_188 : vector<16xf32> to vector<16xf32>
    tpu.vector_store %arg10[%swap3A_189], %swap3A_192 {strides = array<i32>} : memref<512xf32, #tpu.memory_space<vmem>>, vector<16xf32>,
    %get3A_193 = arith.constant 34 : index
    %get3A_194 = tpu.vector_load %arg10[%get3A_193] {strides = array<i32>} : memref<512xf32, #tpu.memory_space<vmem>>, vector<16xf32>,
    %get3A_195 = vector.shape_cast %get3A_194 : vector<16xf32> to vector<16xf32>
    %add3A_196 = arith.addf %add3A_188, %get3A_195 : vector<16xf32>
    %swap3A_197 = arith.constant 32 : index
    %swap3A_198 = tpu.vector_load %arg10[%swap3A_197] {strides = array<i32>} : memref<512xf32, #tpu.memory_space<vmem>>, vector<16xf32>,
    %swap3A_199 = vector.shape_cast %swap3A_198 : vector<16xf32> to vector<16xf32>
    %swap3A_200 = vector.shape_cast %add3A_196 : vector<16xf32> to vector<16xf32>
    tpu.vector_store %arg10[%swap3A_197], %swap3A_200 {strides = array<i32>} : memref<512xf32, #tpu.memory_space<vmem>>, vector<16xf32>,
    %get3A_201 = arith.constant 33 : index
    %get3A_202 = tpu.vector_load %arg10[%get3A_201] {strides = array<i32>} : memref<512xf32, #tpu.memory_space<vmem>>, vector<16xf32>,
    %get3A_203 = vector.shape_cast %get3A_202 : vector<16xf32> to vector<16xf32>
    %add3A_204 = arith.addf %add3A_196, %get3A_203 : vector<16xf32>
    %eq3A_205 = arith.constant 1 : i32
    %eq3A_206 = vector.broadcast %eq3A_205 : i32 to vector<16xi32>
    %eq3A_207 = arith.cmpi eq, %iota3A, %eq3A_206 : vector<16xi32>
    %slice3A_208 = vector.extract_strided_slice %add3A_204 {offsets = [0], sizes = [1], strides = [1]} : vector<16xf32> to vector<1xf32>
    %squeeze3A_209 = vector.extract %slice3A_208[0] : f32 from vector<1xf32>
    %jit3A_210 = arith.constant 0.000000e+00 : f32
    %broadcast_in_dim3A_211 = vector.broadcast %squeeze3A_209 : f32 to vector<16xf32>
    %broadcast_in_dim3A_212 = vector.broadcast %jit3A_210 : f32 to vector<16xf32>
    %select_n3A_213 = arith.select %eq3A_207, %broadcast_in_dim3A_211, %broadcast_in_dim3A_212 : vector<16xi1>, vector<16xf32>
    %add3A_214 = arith.addf %add3A_172, %select_n3A_213 : vector<16xf32>
    %swap3A_215 = arith.constant 64 : index
    %swap3A_216 = tpu.vector_load %arg10[%swap3A_215] {strides = array<i32>} : memref<512xf32, #tpu.memory_space<vmem>>, vector<16xf32>,
    %swap3A_217 = vector.shape_cast %swap3A_216 : vector<16xf32> to vector<16xf32>
    %swap3A_218 = vector.shape_cast %select_n3A_66 : vector<16xf32> to vector<16xf32>
    tpu.vector_store %arg10[%swap3A_215], %swap3A_218 {strides = array<i32>} : memref<512xf32, #tpu.memory_space<vmem>>, vector<16xf32>,
    %get3A_219 = arith.constant 72 : index
    %get3A_220 = tpu.vector_load %arg10[%get3A_219] {strides = array<i32>} : memref<512xf32, #tpu.memory_space<vmem>>, vector<16xf32>,
    %get3A_221 = vector.shape_cast %get3A_220 : vector<16xf32> to vector<16xf32>
    %add3A_222 = arith.addf %select_n3A_66, %get3A_221 : vector<16xf32>
    %swap3A_223 = arith.constant 64 : index
    %swap3A_224 = tpu.vector_load %arg10[%swap3A_223] {strides = array<i32>} : memref<512xf32, #tpu.memory_space<vmem>>, vector<16xf32>,
    %swap3A_225 = vector.shape_cast %swap3A_224 : vector<16xf32> to vector<16xf32>
    %swap3A_226 = vector.shape_cast %add3A_222 : vector<16xf32> to vector<16xf32>
    tpu.vector_store %arg10[%swap3A_223], %swap3A_226 {strides = array<i32>} : memref<512xf32, #tpu.memory_space<vmem>>, vector<16xf32>,
    %get3A_227 = arith.constant 68 : index
    %get3A_228 = tpu.vector_load %arg10[%get3A_227] {strides = array<i32>} : memref<512xf32, #tpu.memory_space<vmem>>, vector<16xf32>,
    %get3A_229 = vector.shape_cast %get3A_228 : vector<16xf32> to vector<16xf32>
    %add3A_230 = arith.addf %add3A_222, %get3A_229 : vector<16xf32>
    %swap3A_231 = arith.constant 64 : index
    %swap3A_232 = tpu.vector_load %arg10[%swap3A_231] {strides = array<i32>} : memref<512xf32, #tpu.memory_space<vmem>>, vector<16xf32>,
    %swap3A_233 = vector.shape_cast %swap3A_232 : vector<16xf32> to vector<16xf32>
    %swap3A_234 = vector.shape_cast %add3A_230 : vector<16xf32> to vector<16xf32>
    tpu.vector_store %arg10[%swap3A_231], %swap3A_234 {strides = array<i32>} : memref<512xf32, #tpu.memory_space<vmem>>, vector<16xf32>,
    %get3A_235 = arith.constant 66 : index
    %get3A_236 = tpu.vector_load %arg10[%get3A_235] {strides = array<i32>} : memref<512xf32, #tpu.memory_space<vmem>>, vector<16xf32>,
    %get3A_237 = vector.shape_cast %get3A_236 : vector<16xf32> to vector<16xf32>
    %add3A_238 = arith.addf %add3A_230, %get3A_237 : vector<16xf32>
    %swap3A_239 = arith.constant 64 : index
    %swap3A_240 = tpu.vector_load %arg10[%swap3A_239] {strides = array<i32>} : memref<512xf32, #tpu.memory_space<vmem>>, vector<16xf32>,
    %swap3A_241 = vector.shape_cast %swap3A_240 : vector<16xf32> to vector<16xf32>
    %swap3A_242 = vector.shape_cast %add3A_238 : vector<16xf32> to vector<16xf32>
    tpu.vector_store %arg10[%swap3A_239], %swap3A_242 {strides = array<i32>} : memref<512xf32, #tpu.memory_space<vmem>>, vector<16xf32>,
    %get3A_243 = arith.constant 65 : index
    %get3A_244 = tpu.vector_load %arg10[%get3A_243] {strides = array<i32>} : memref<512xf32, #tpu.memory_space<vmem>>, vector<16xf32>,
    %get3A_245 = vector.shape_cast %get3A_244 : vector<16xf32> to vector<16xf32>
    %add3A_246 = arith.addf %add3A_238, %get3A_245 : vector<16xf32>
    %eq3A_247 = arith.constant 2 : i32
    %eq3A_248 = vector.broadcast %eq3A_247 : i32 to vector<16xi32>
    %eq3A_249 = arith.cmpi eq, %iota3A, %eq3A_248 : vector<16xi32>
    %slice3A_250 = vector.extract_strided_slice %add3A_246 {offsets = [0], sizes = [1], strides = [1]} : vector<16xf32> to vector<1xf32>
    %squeeze3A_251 = vector.extract %slice3A_250[0] : f32 from vector<1xf32>
    %jit3A_252 = arith.constant 0.000000e+00 : f32
    %broadcast_in_dim3A_253 = vector.broadcast %squeeze3A_251 : f32 to vector<16xf32>
    %broadcast_in_dim3A_254 = vector.broadcast %jit3A_252 : f32 to vector<16xf32>
    %select_n3A_255 = arith.select %eq3A_249, %broadcast_in_dim3A_253, %broadcast_in_dim3A_254 : vector<16xi1>, vector<16xf32>
    %add3A_256 = arith.addf %add3A_214, %select_n3A_255 : vector<16xf32>
    %swap3A_257 = arith.constant 96 : index
    %swap3A_258 = tpu.vector_load %arg10[%swap3A_257] {strides = array<i32>} : memref<512xf32, #tpu.memory_space<vmem>>, vector<16xf32>,
    %swap3A_259 = vector.shape_cast %swap3A_258 : vector<16xf32> to vector<16xf32>
    %swap3A_260 = vector.shape_cast %select_n3A_71 : vector<16xf32> to vector<16xf32>
    tpu.vector_store %arg10[%swap3A_257], %swap3A_260 {strides = array<i32>} : memref<512xf32, #tpu.memory_space<vmem>>, vector<16xf32>,
    %get3A_261 = arith.constant 104 : index
    %get3A_262 = tpu.vector_load %arg10[%get3A_261] {strides = array<i32>} : memref<512xf32, #tpu.memory_space<vmem>>, vector<16xf32>,
    %get3A_263 = vector.shape_cast %get3A_262 : vector<16xf32> to vector<16xf32>
    %add3A_264 = arith.addf %select_n3A_71, %get3A_263 : vector<16xf32>
    %swap3A_265 = arith.constant 96 : index
    %swap3A_266 = tpu.vector_load %arg10[%swap3A_265] {strides = array<i32>} : memref<512xf32, #tpu.memory_space<vmem>>, vector<16xf32>,
    %swap3A_267 = vector.shape_cast %swap3A_266 : vector<16xf32> to vector<16xf32>
    %swap3A_268 = vector.shape_cast %add3A_264 : vector<16xf32> to vector<16xf32>
    tpu.vector_store %arg10[%swap3A_265], %swap3A_268 {strides = array<i32>} : memref<512xf32, #tpu.memory_space<vmem>>, vector<16xf32>,
    %get3A_269 = arith.constant 100 : index
    %get3A_270 = tpu.vector_load %arg10[%get3A_269] {strides = array<i32>} : memref<512xf32, #tpu.memory_space<vmem>>, vector<16xf32>,
    %get3A_271 = vector.shape_cast %get3A_270 : vector<16xf32> to vector<16xf32>
    %add3A_272 = arith.addf %add3A_264, %get3A_271 : vector<16xf32>
    %swap3A_273 = arith.constant 96 : index
    %swap3A_274 = tpu.vector_load %arg10[%swap3A_273] {strides = array<i32>} : memref<512xf32, #tpu.memory_space<vmem>>, vector<16xf32>,
    %swap3A_275 = vector.shape_cast %swap3A_274 : vector<16xf32> to vector<16xf32>
    %swap3A_276 = vector.shape_cast %add3A_272 : vector<16xf32> to vector<16xf32>
    tpu.vector_store %arg10[%swap3A_273], %swap3A_276 {strides = array<i32>} : memref<512xf32, #tpu.memory_space<vmem>>, vector<16xf32>,
    %get3A_277 = arith.constant 98 : index
    %get3A_278 = tpu.vector_load %arg10[%get3A_277] {strides = array<i32>} : memref<512xf32, #tpu.memory_space<vmem>>, vector<16xf32>,
    %get3A_279 = vector.shape_cast %get3A_278 : vector<16xf32> to vector<16xf32>
    %add3A_280 = arith.addf %add3A_272, %get3A_279 : vector<16xf32>
    %swap3A_281 = arith.constant 96 : index
    %swap3A_282 = tpu.vector_load %arg10[%swap3A_281] {strides = array<i32>} : memref<512xf32, #tpu.memory_space<vmem>>, vector<16xf32>,
    %swap3A_283 = vector.shape_cast %swap3A_282 : vector<16xf32> to vector<16xf32>
    %swap3A_284 = vector.shape_cast %add3A_280 : vector<16xf32> to vector<16xf32>
    tpu.vector_store %arg10[%swap3A_281], %swap3A_284 {strides = array<i32>} : memref<512xf32, #tpu.memory_space<vmem>>, vector<16xf32>,
    %get3A_285 = arith.constant 97 : index
    %get3A_286 = tpu.vector_load %arg10[%get3A_285] {strides = array<i32>} : memref<512xf32, #tpu.memory_space<vmem>>, vector<16xf32>,
    %get3A_287 = vector.shape_cast %get3A_286 : vector<16xf32> to vector<16xf32>
    %add3A_288 = arith.addf %add3A_280, %get3A_287 : vector<16xf32>
    %eq3A_289 = arith.constant 3 : i32
    %eq3A_290 = vector.broadcast %eq3A_289 : i32 to vector<16xi32>
    %eq3A_291 = arith.cmpi eq, %iota3A, %eq3A_290 : vector<16xi32>
    %slice3A_292 = vector.extract_strided_slice %add3A_288 {offsets = [0], sizes = [1], strides = [1]} : vector<16xf32> to vector<1xf32>
    %squeeze3A_293 = vector.extract %slice3A_292[0] : f32 from vector<1xf32>
    %jit3A_294 = arith.constant 0.000000e+00 : f32
    %broadcast_in_dim3A_295 = vector.broadcast %squeeze3A_293 : f32 to vector<16xf32>
    %broadcast_in_dim3A_296 = vector.broadcast %jit3A_294 : f32 to vector<16xf32>
    %select_n3A_297 = arith.select %eq3A_291, %broadcast_in_dim3A_295, %broadcast_in_dim3A_296 : vector<16xi1>, vector<16xf32>
    %add3A_298 = arith.addf %add3A_256, %select_n3A_297 : vector<16xf32>
    %swap3A_299 = arith.constant 128 : index
    %swap3A_300 = tpu.vector_load %arg10[%swap3A_299] {strides = array<i32>} : memref<512xf32, #tpu.memory_space<vmem>>, vector<16xf32>,
    %swap3A_301 = vector.shape_cast %swap3A_300 : vector<16xf32> to vector<16xf32>
    %swap3A_302 = vector.shape_cast %select_n3A_76 : vector<16xf32> to vector<16xf32>
    tpu.vector_store %arg10[%swap3A_299], %swap3A_302 {strides = array<i32>} : memref<512xf32, #tpu.memory_space<vmem>>, vector<16xf32>,
    %get3A_303 = arith.constant 136 : index
    %get3A_304 = tpu.vector_load %arg10[%get3A_303] {strides = array<i32>} : memref<512xf32, #tpu.memory_space<vmem>>, vector<16xf32>,
    %get3A_305 = vector.shape_cast %get3A_304 : vector<16xf32> to vector<16xf32>
    %add3A_306 = arith.addf %select_n3A_76, %get3A_305 : vector<16xf32>
    %swap3A_307 = arith.constant 128 : index
    %swap3A_308 = tpu.vector_load %arg10[%swap3A_307] {strides = array<i32>} : memref<512xf32, #tpu.memory_space<vmem>>, vector<16xf32>,
    %swap3A_309 = vector.shape_cast %swap3A_308 : vector<16xf32> to vector<16xf32>
    %swap3A_310 = vector.shape_cast %add3A_306 : vector<16xf32> to vector<16xf32>
    tpu.vector_store %arg10[%swap3A_307], %swap3A_310 {strides = array<i32>} : memref<512xf32, #tpu.memory_space<vmem>>, vector<16xf32>,
    %get3A_311 = arith.constant 132 : index
    %get3A_312 = tpu.vector_load %arg10[%get3A_311] {strides = array<i32>} : memref<512xf32, #tpu.memory_space<vmem>>, vector<16xf32>,
    %get3A_313 = vector.shape_cast %get3A_312 : vector<16xf32> to vector<16xf32>
    %add3A_314 = arith.addf %add3A_306, %get3A_313 : vector<16xf32>
    %swap3A_315 = arith.constant 128 : index
    %swap3A_316 = tpu.vector_load %arg10[%swap3A_315] {strides = array<i32>} : memref<512xf32, #tpu.memory_space<vmem>>, vector<16xf32>,
    %swap3A_317 = vector.shape_cast %swap3A_316 : vector<16xf32> to vector<16xf32>
    %swap3A_318 = vector.shape_cast %add3A_314 : vector<16xf32> to vector<16xf32>
    tpu.vector_store %arg10[%swap3A_315], %swap3A_318 {strides = array<i32>} : memref<512xf32, #tpu.memory_space<vmem>>, vector<16xf32>,
    %get3A_319 = arith.constant 130 : index
    %get3A_320 = tpu.vector_load %arg10[%get3A_319] {strides = array<i32>} : memref<512xf32, #tpu.memory_space<vmem>>, vector<16xf32>,
    %get3A_321 = vector.shape_cast %get3A_320 : vector<16xf32> to vector<16xf32>
    %add3A_322 = arith.addf %add3A_314, %get3A_321 : vector<16xf32>
    %swap3A_323 = arith.constant 128 : index
    %swap3A_324 = tpu.vector_load %arg10[%swap3A_323] {strides = array<i32>} : memref<512xf32, #tpu.memory_space<vmem>>, vector<16xf32>,
    %swap3A_325 = vector.shape_cast %swap3A_324 : vector<16xf32> to vector<16xf32>
    %swap3A_326 = vector.shape_cast %add3A_322 : vector<16xf32> to vector<16xf32>
    tpu.vector_store %arg10[%swap3A_323], %swap3A_326 {strides = array<i32>} : memref<512xf32, #tpu.memory_space<vmem>>, vector<16xf32>,
    %get3A_327 = arith.constant 129 : index
    %get3A_328 = tpu.vector_load %arg10[%get3A_327] {strides = array<i32>} : memref<512xf32, #tpu.memory_space<vmem>>, vector<16xf32>,
    %get3A_329 = vector.shape_cast %get3A_328 : vector<16xf32> to vector<16xf32>
    %add3A_330 = arith.addf %add3A_322, %get3A_329 : vector<16xf32>
    %eq3A_331 = arith.constant 4 : i32
    %eq3A_332 = vector.broadcast %eq3A_331 : i32 to vector<16xi32>
    %eq3A_333 = arith.cmpi eq, %iota3A, %eq3A_332 : vector<16xi32>
    %slice3A_334 = vector.extract_strided_slice %add3A_330 {offsets = [0], sizes = [1], strides = [1]} : vector<16xf32> to vector<1xf32>
    %squeeze3A_335 = vector.extract %slice3A_334[0] : f32 from vector<1xf32>
    %jit3A_336 = arith.constant 0.000000e+00 : f32
    %broadcast_in_dim3A_337 = vector.broadcast %squeeze3A_335 : f32 to vector<16xf32>
    %broadcast_in_dim3A_338 = vector.broadcast %jit3A_336 : f32 to vector<16xf32>
    %select_n3A_339 = arith.select %eq3A_333, %broadcast_in_dim3A_337, %broadcast_in_dim3A_338 : vector<16xi1>, vector<16xf32>
    %add3A_340 = arith.addf %add3A_298, %select_n3A_339 : vector<16xf32>
    %swap3A_341 = arith.constant 160 : index
    %swap3A_342 = tpu.vector_load %arg10[%swap3A_341] {strides = array<i32>} : memref<512xf32, #tpu.memory_space<vmem>>, vector<16xf32>,
    %swap3A_343 = vector.shape_cast %swap3A_342 : vector<16xf32> to vector<16xf32>
    %swap3A_344 = vector.shape_cast %select_n3A_81 : vector<16xf32> to vector<16xf32>
    tpu.vector_store %arg10[%swap3A_341], %swap3A_344 {strides = array<i32>} : memref<512xf32, #tpu.memory_space<vmem>>, vector<16xf32>,
    %get3A_345 = arith.constant 168 : index
    %get3A_346 = tpu.vector_load %arg10[%get3A_345] {strides = array<i32>} : memref<512xf32, #tpu.memory_space<vmem>>, vector<16xf32>,
    %get3A_347 = vector.shape_cast %get3A_346 : vector<16xf32> to vector<16xf32>
    %add3A_348 = arith.addf %select_n3A_81, %get3A_347 : vector<16xf32>
    %swap3A_349 = arith.constant 160 : index
    %swap3A_350 = tpu.vector_load %arg10[%swap3A_349] {strides = array<i32>} : memref<512xf32, #tpu.memory_space<vmem>>, vector<16xf32>,
    %swap3A_351 = vector.shape_cast %swap3A_350 : vector<16xf32> to vector<16xf32>
    %swap3A_352 = vector.shape_cast %add3A_348 : vector<16xf32> to vector<16xf32>
    tpu.vector_store %arg10[%swap3A_349], %swap3A_352 {strides = array<i32>} : memref<512xf32, #tpu.memory_space<vmem>>, vector<16xf32>,
    %get3A_353 = arith.constant 164 : index
    %get3A_354 = tpu.vector_load %arg10[%get3A_353] {strides = array<i32>} : memref<512xf32, #tpu.memory_space<vmem>>, vector<16xf32>,
    %get3A_355 = vector.shape_cast %get3A_354 : vector<16xf32> to vector<16xf32>
    %add3A_356 = arith.addf %add3A_348, %get3A_355 : vector<16xf32>
    %swap3A_357 = arith.constant 160 : index
    %swap3A_358 = tpu.vector_load %arg10[%swap3A_357] {strides = array<i32>} : memref<512xf32, #tpu.memory_space<vmem>>, vector<16xf32>,
    %swap3A_359 = vector.shape_cast %swap3A_358 : vector<16xf32> to vector<16xf32>
    %swap3A_360 = vector.shape_cast %add3A_356 : vector<16xf32> to vector<16xf32>
    tpu.vector_store %arg10[%swap3A_357], %swap3A_360 {strides = array<i32>} : memref<512xf32, #tpu.memory_space<vmem>>, vector<16xf32>,
    %get3A_361 = arith.constant 162 : index
    %get3A_362 = tpu.vector_load %arg10[%get3A_361] {strides = array<i32>} : memref<512xf32, #tpu.memory_space<vmem>>, vector<16xf32>,
    %get3A_363 = vector.shape_cast %get3A_362 : vector<16xf32> to vector<16xf32>
    %add3A_364 = arith.addf %add3A_356, %get3A_363 : vector<16xf32>
    %swap3A_365 = arith.constant 160 : index
    %swap3A_366 = tpu.vector_load %arg10[%swap3A_365] {strides = array<i32>} : memref<512xf32, #tpu.memory_space<vmem>>, vector<16xf32>,
    %swap3A_367 = vector.shape_cast %swap3A_366 : vector<16xf32> to vector<16xf32>
    %swap3A_368 = vector.shape_cast %add3A_364 : vector<16xf32> to vector<16xf32>
    tpu.vector_store %arg10[%swap3A_365], %swap3A_368 {strides = array<i32>} : memref<512xf32, #tpu.memory_space<vmem>>, vector<16xf32>,
    %get3A_369 = arith.constant 161 : index
    %get3A_370 = tpu.vector_load %arg10[%get3A_369] {strides = array<i32>} : memref<512xf32, #tpu.memory_space<vmem>>, vector<16xf32>,
    %get3A_371 = vector.shape_cast %get3A_370 : vector<16xf32> to vector<16xf32>
    %add3A_372 = arith.addf %add3A_364, %get3A_371 : vector<16xf32>
    %eq3A_373 = arith.constant 5 : i32
    %eq3A_374 = vector.broadcast %eq3A_373 : i32 to vector<16xi32>
    %eq3A_375 = arith.cmpi eq, %iota3A, %eq3A_374 : vector<16xi32>
    %slice3A_376 = vector.extract_strided_slice %add3A_372 {offsets = [0], sizes = [1], strides = [1]} : vector<16xf32> to vector<1xf32>
    %squeeze3A_377 = vector.extract %slice3A_376[0] : f32 from vector<1xf32>
    %jit3A_378 = arith.constant 0.000000e+00 : f32
    %broadcast_in_dim3A_379 = vector.broadcast %squeeze3A_377 : f32 to vector<16xf32>
    %broadcast_in_dim3A_380 = vector.broadcast %jit3A_378 : f32 to vector<16xf32>
    %select_n3A_381 = arith.select %eq3A_375, %broadcast_in_dim3A_379, %broadcast_in_dim3A_380 : vector<16xi1>, vector<16xf32>
    %add3A_382 = arith.addf %add3A_340, %select_n3A_381 : vector<16xf32>
    %swap3A_383 = arith.constant 192 : index
    %swap3A_384 = tpu.vector_load %arg10[%swap3A_383] {strides = array<i32>} : memref<512xf32, #tpu.memory_space<vmem>>, vector<16xf32>,
    %swap3A_385 = vector.shape_cast %swap3A_384 : vector<16xf32> to vector<16xf32>
    %swap3A_386 = vector.shape_cast %select_n3A_86 : vector<16xf32> to vector<16xf32>
    tpu.vector_store %arg10[%swap3A_383], %swap3A_386 {strides = array<i32>} : memref<512xf32, #tpu.memory_space<vmem>>, vector<16xf32>,
    %get3A_387 = arith.constant 200 : index
    %get3A_388 = tpu.vector_load %arg10[%get3A_387] {strides = array<i32>} : memref<512xf32, #tpu.memory_space<vmem>>, vector<16xf32>,
    %get3A_389 = vector.shape_cast %get3A_388 : vector<16xf32> to vector<16xf32>
    %add3A_390 = arith.addf %select_n3A_86, %get3A_389 : vector<16xf32>
    %swap3A_391 = arith.constant 192 : index
    %swap3A_392 = tpu.vector_load %arg10[%swap3A_391] {strides = array<i32>} : memref<512xf32, #tpu.memory_space<vmem>>, vector<16xf32>,
    %swap3A_393 = vector.shape_cast %swap3A_392 : vector<16xf32> to vector<16xf32>
    %swap3A_394 = vector.shape_cast %add3A_390 : vector<16xf32> to vector<16xf32>
    tpu.vector_store %arg10[%swap3A_391], %swap3A_394 {strides = array<i32>} : memref<512xf32, #tpu.memory_space<vmem>>, vector<16xf32>,
    %get3A_395 = arith.constant 196 : index
    %get3A_396 = tpu.vector_load %arg10[%get3A_395] {strides = array<i32>} : memref<512xf32, #tpu.memory_space<vmem>>, vector<16xf32>,
    %get3A_397 = vector.shape_cast %get3A_396 : vector<16xf32> to vector<16xf32>
    %add3A_398 = arith.addf %add3A_390, %get3A_397 : vector<16xf32>
    %swap3A_399 = arith.constant 192 : index
    %swap3A_400 = tpu.vector_load %arg10[%swap3A_399] {strides = array<i32>} : memref<512xf32, #tpu.memory_space<vmem>>, vector<16xf32>,
    %swap3A_401 = vector.shape_cast %swap3A_400 : vector<16xf32> to vector<16xf32>
    %swap3A_402 = vector.shape_cast %add3A_398 : vector<16xf32> to vector<16xf32>
    tpu.vector_store %arg10[%swap3A_399], %swap3A_402 {strides = array<i32>} : memref<512xf32, #tpu.memory_space<vmem>>, vector<16xf32>,
    %get3A_403 = arith.constant 194 : index
    %get3A_404 = tpu.vector_load %arg10[%get3A_403] {strides = array<i32>} : memref<512xf32, #tpu.memory_space<vmem>>, vector<16xf32>,
    %get3A_405 = vector.shape_cast %get3A_404 : vector<16xf32> to vector<16xf32>
    %add3A_406 = arith.addf %add3A_398, %get3A_405 : vector<16xf32>
    %swap3A_407 = arith.constant 192 : index
    %swap3A_408 = tpu.vector_load %arg10[%swap3A_407] {strides = array<i32>} : memref<512xf32, #tpu.memory_space<vmem>>, vector<16xf32>,
    %swap3A_409 = vector.shape_cast %swap3A_408 : vector<16xf32> to vector<16xf32>
    %swap3A_410 = vector.shape_cast %add3A_406 : vector<16xf32> to vector<16xf32>
    tpu.vector_store %arg10[%swap3A_407], %swap3A_410 {strides = array<i32>} : memref<512xf32, #tpu.memory_space<vmem>>, vector<16xf32>,
    %get3A_411 = arith.constant 193 : index
    %get3A_412 = tpu.vector_load %arg10[%get3A_411] {strides = array<i32>} : memref<512xf32, #tpu.memory_space<vmem>>, vector<16xf32>,
    %get3A_413 = vector.shape_cast %get3A_412 : vector<16xf32> to vector<16xf32>
    %add3A_414 = arith.addf %add3A_406, %get3A_413 : vector<16xf32>
    %eq3A_415 = arith.constant 6 : i32
    %eq3A_416 = vector.broadcast %eq3A_415 : i32 to vector<16xi32>
    %eq3A_417 = arith.cmpi eq, %iota3A, %eq3A_416 : vector<16xi32>
    %slice3A_418 = vector.extract_strided_slice %add3A_414 {offsets = [0], sizes = [1], strides = [1]} : vector<16xf32> to vector<1xf32>
    %squeeze3A_419 = vector.extract %slice3A_418[0] : f32 from vector<1xf32>
    %jit3A_420 = arith.constant 0.000000e+00 : f32
    %broadcast_in_dim3A_421 = vector.broadcast %squeeze3A_419 : f32 to vector<16xf32>
    %broadcast_in_dim3A_422 = vector.broadcast %jit3A_420 : f32 to vector<16xf32>
    %select_n3A_423 = arith.select %eq3A_417, %broadcast_in_dim3A_421, %broadcast_in_dim3A_422 : vector<16xi1>, vector<16xf32>
    %add3A_424 = arith.addf %add3A_382, %select_n3A_423 : vector<16xf32>
    %swap3A_425 = arith.constant 224 : index
    %swap3A_426 = tpu.vector_load %arg10[%swap3A_425] {strides = array<i32>} : memref<512xf32, #tpu.memory_space<vmem>>, vector<16xf32>,
    %swap3A_427 = vector.shape_cast %swap3A_426 : vector<16xf32> to vector<16xf32>
    %swap3A_428 = vector.shape_cast %select_n3A_91 : vector<16xf32> to vector<16xf32>
    tpu.vector_store %arg10[%swap3A_425], %swap3A_428 {strides = array<i32>} : memref<512xf32, #tpu.memory_space<vmem>>, vector<16xf32>,
    %get3A_429 = arith.constant 232 : index
    %get3A_430 = tpu.vector_load %arg10[%get3A_429] {strides = array<i32>} : memref<512xf32, #tpu.memory_space<vmem>>, vector<16xf32>,
    %get3A_431 = vector.shape_cast %get3A_430 : vector<16xf32> to vector<16xf32>
    %add3A_432 = arith.addf %select_n3A_91, %get3A_431 : vector<16xf32>
    %swap3A_433 = arith.constant 224 : index
    %swap3A_434 = tpu.vector_load %arg10[%swap3A_433] {strides = array<i32>} : memref<512xf32, #tpu.memory_space<vmem>>, vector<16xf32>,
    %swap3A_435 = vector.shape_cast %swap3A_434 : vector<16xf32> to vector<16xf32>
    %swap3A_436 = vector.shape_cast %add3A_432 : vector<16xf32> to vector<16xf32>
    tpu.vector_store %arg10[%swap3A_433], %swap3A_436 {strides = array<i32>} : memref<512xf32, #tpu.memory_space<vmem>>, vector<16xf32>,
    %get3A_437 = arith.constant 228 : index
    %get3A_438 = tpu.vector_load %arg10[%get3A_437] {strides = array<i32>} : memref<512xf32, #tpu.memory_space<vmem>>, vector<16xf32>,
    %get3A_439 = vector.shape_cast %get3A_438 : vector<16xf32> to vector<16xf32>
    %add3A_440 = arith.addf %add3A_432, %get3A_439 : vector<16xf32>
    %swap3A_441 = arith.constant 224 : index
    %swap3A_442 = tpu.vector_load %arg10[%swap3A_441] {strides = array<i32>} : memref<512xf32, #tpu.memory_space<vmem>>, vector<16xf32>,
    %swap3A_443 = vector.shape_cast %swap3A_442 : vector<16xf32> to vector<16xf32>
    %swap3A_444 = vector.shape_cast %add3A_440 : vector<16xf32> to vector<16xf32>
    tpu.vector_store %arg10[%swap3A_441], %swap3A_444 {strides = array<i32>} : memref<512xf32, #tpu.memory_space<vmem>>, vector<16xf32>,
    %get3A_445 = arith.constant 226 : index
    %get3A_446 = tpu.vector_load %arg10[%get3A_445] {strides = array<i32>} : memref<512xf32, #tpu.memory_space<vmem>>, vector<16xf32>,
    %get3A_447 = vector.shape_cast %get3A_446 : vector<16xf32> to vector<16xf32>
    %add3A_448 = arith.addf %add3A_440, %get3A_447 : vector<16xf32>
    %swap3A_449 = arith.constant 224 : index
    %swap3A_450 = tpu.vector_load %arg10[%swap3A_449] {strides = array<i32>} : memref<512xf32, #tpu.memory_space<vmem>>, vector<16xf32>,
    %swap3A_451 = vector.shape_cast %swap3A_450 : vector<16xf32> to vector<16xf32>
    %swap3A_452 = vector.shape_cast %add3A_448 : vector<16xf32> to vector<16xf32>
    tpu.vector_store %arg10[%swap3A_449], %swap3A_452 {strides = array<i32>} : memref<512xf32, #tpu.memory_space<vmem>>, vector<16xf32>,
    %get3A_453 = arith.constant 225 : index
    %get3A_454 = tpu.vector_load %arg10[%get3A_453] {strides = array<i32>} : memref<512xf32, #tpu.memory_space<vmem>>, vector<16xf32>,
    %get3A_455 = vector.shape_cast %get3A_454 : vector<16xf32> to vector<16xf32>
    %add3A_456 = arith.addf %add3A_448, %get3A_455 : vector<16xf32>
    %eq3A_457 = arith.constant 7 : i32
    %eq3A_458 = vector.broadcast %eq3A_457 : i32 to vector<16xi32>
    %eq3A_459 = arith.cmpi eq, %iota3A, %eq3A_458 : vector<16xi32>
    %slice3A_460 = vector.extract_strided_slice %add3A_456 {offsets = [0], sizes = [1], strides = [1]} : vector<16xf32> to vector<1xf32>
    %squeeze3A_461 = vector.extract %slice3A_460[0] : f32 from vector<1xf32>
    %jit3A_462 = arith.constant 0.000000e+00 : f32
    %broadcast_in_dim3A_463 = vector.broadcast %squeeze3A_461 : f32 to vector<16xf32>
    %broadcast_in_dim3A_464 = vector.broadcast %jit3A_462 : f32 to vector<16xf32>
    %select_n3A_465 = arith.select %eq3A_459, %broadcast_in_dim3A_463, %broadcast_in_dim3A_464 : vector<16xi1>, vector<16xf32>
    %add3A_466 = arith.addf %add3A_424, %select_n3A_465 : vector<16xf32>
    %swap3A_467 = arith.constant 256 : index
    %swap3A_468 = tpu.vector_load %arg10[%swap3A_467] {strides = array<i32>} : memref<512xf32, #tpu.memory_space<vmem>>, vector<16xf32>,
    %swap3A_469 = vector.shape_cast %swap3A_468 : vector<16xf32> to vector<16xf32>
    %swap3A_470 = vector.shape_cast %select_n3A_96 : vector<16xf32> to vector<16xf32>
    tpu.vector_store %arg10[%swap3A_467], %swap3A_470 {strides = array<i32>} : memref<512xf32, #tpu.memory_space<vmem>>, vector<16xf32>,
    %get3A_471 = arith.constant 264 : index
    %get3A_472 = tpu.vector_load %arg10[%get3A_471] {strides = array<i32>} : memref<512xf32, #tpu.memory_space<vmem>>, vector<16xf32>,
    %get3A_473 = vector.shape_cast %get3A_472 : vector<16xf32> to vector<16xf32>
    %add3A_474 = arith.addf %select_n3A_96, %get3A_473 : vector<16xf32>
    %swap3A_475 = arith.constant 256 : index
    %swap3A_476 = tpu.vector_load %arg10[%swap3A_475] {strides = array<i32>} : memref<512xf32, #tpu.memory_space<vmem>>, vector<16xf32>,
    %swap3A_477 = vector.shape_cast %swap3A_476 : vector<16xf32> to vector<16xf32>
    %swap3A_478 = vector.shape_cast %add3A_474 : vector<16xf32> to vector<16xf32>
    tpu.vector_store %arg10[%swap3A_475], %swap3A_478 {strides = array<i32>} : memref<512xf32, #tpu.memory_space<vmem>>, vector<16xf32>,
    %get3A_479 = arith.constant 260 : index
    %get3A_480 = tpu.vector_load %arg10[%get3A_479] {strides = array<i32>} : memref<512xf32, #tpu.memory_space<vmem>>, vector<16xf32>,
    %get3A_481 = vector.shape_cast %get3A_480 : vector<16xf32> to vector<16xf32>
    %add3A_482 = arith.addf %add3A_474, %get3A_481 : vector<16xf32>
    %swap3A_483 = arith.constant 256 : index
    %swap3A_484 = tpu.vector_load %arg10[%swap3A_483] {strides = array<i32>} : memref<512xf32, #tpu.memory_space<vmem>>, vector<16xf32>,
    %swap3A_485 = vector.shape_cast %swap3A_484 : vector<16xf32> to vector<16xf32>
    %swap3A_486 = vector.shape_cast %add3A_482 : vector<16xf32> to vector<16xf32>
    tpu.vector_store %arg10[%swap3A_483], %swap3A_486 {strides = array<i32>} : memref<512xf32, #tpu.memory_space<vmem>>, vector<16xf32>,
    %get3A_487 = arith.constant 258 : index
    %get3A_488 = tpu.vector_load %arg10[%get3A_487] {strides = array<i32>} : memref<512xf32, #tpu.memory_space<vmem>>, vector<16xf32>,
    %get3A_489 = vector.shape_cast %get3A_488 : vector<16xf32> to vector<16xf32>
    %add3A_490 = arith.addf %add3A_482, %get3A_489 : vector<16xf32>
    %swap3A_491 = arith.constant 256 : index
    %swap3A_492 = tpu.vector_load %arg10[%swap3A_491] {strides = array<i32>} : memref<512xf32, #tpu.memory_space<vmem>>, vector<16xf32>,
    %swap3A_493 = vector.shape_cast %swap3A_492 : vector<16xf32> to vector<16xf32>
    %swap3A_494 = vector.shape_cast %add3A_490 : vector<16xf32> to vector<16xf32>
    tpu.vector_store %arg10[%swap3A_491], %swap3A_494 {strides = array<i32>} : memref<512xf32, #tpu.memory_space<vmem>>, vector<16xf32>,
    %get3A_495 = arith.constant 257 : index
    %get3A_496 = tpu.vector_load %arg10[%get3A_495] {strides = array<i32>} : memref<512xf32, #tpu.memory_space<vmem>>, vector<16xf32>,
    %get3A_497 = vector.shape_cast %get3A_496 : vector<16xf32> to vector<16xf32>
    %add3A_498 = arith.addf %add3A_490, %get3A_497 : vector<16xf32>
    %eq3A_499 = arith.constant 8 : i32
    %eq3A_500 = vector.broadcast %eq3A_499 : i32 to vector<16xi32>
    %eq3A_501 = arith.cmpi eq, %iota3A, %eq3A_500 : vector<16xi32>
    %slice3A_502 = vector.extract_strided_slice %add3A_498 {offsets = [0], sizes = [1], strides = [1]} : vector<16xf32> to vector<1xf32>
    %squeeze3A_503 = vector.extract %slice3A_502[0] : f32 from vector<1xf32>
    %jit3A_504 = arith.constant 0.000000e+00 : f32
    %broadcast_in_dim3A_505 = vector.broadcast %squeeze3A_503 : f32 to vector<16xf32>
    %broadcast_in_dim3A_506 = vector.broadcast %jit3A_504 : f32 to vector<16xf32>
    %select_n3A_507 = arith.select %eq3A_501, %broadcast_in_dim3A_505, %broadcast_in_dim3A_506 : vector<16xi1>, vector<16xf32>
    %add3A_508 = arith.addf %add3A_466, %select_n3A_507 : vector<16xf32>
    %swap3A_509 = arith.constant 288 : index
    %swap3A_510 = tpu.vector_load %arg10[%swap3A_509] {strides = array<i32>} : memref<512xf32, #tpu.memory_space<vmem>>, vector<16xf32>,
    %swap3A_511 = vector.shape_cast %swap3A_510 : vector<16xf32> to vector<16xf32>
    %swap3A_512 = vector.shape_cast %select_n3A_101 : vector<16xf32> to vector<16xf32>
    tpu.vector_store %arg10[%swap3A_509], %swap3A_512 {strides = array<i32>} : memref<512xf32, #tpu.memory_space<vmem>>, vector<16xf32>,
    %get3A_513 = arith.constant 296 : index
    %get3A_514 = tpu.vector_load %arg10[%get3A_513] {strides = array<i32>} : memref<512xf32, #tpu.memory_space<vmem>>, vector<16xf32>,
    %get3A_515 = vector.shape_cast %get3A_514 : vector<16xf32> to vector<16xf32>
    %add3A_516 = arith.addf %select_n3A_101, %get3A_515 : vector<16xf32>
    %swap3A_517 = arith.constant 288 : index
    %swap3A_518 = tpu.vector_load %arg10[%swap3A_517] {strides = array<i32>} : memref<512xf32, #tpu.memory_space<vmem>>, vector<16xf32>,
    %swap3A_519 = vector.shape_cast %swap3A_518 : vector<16xf32> to vector<16xf32>
    %swap3A_520 = vector.shape_cast %add3A_516 : vector<16xf32> to vector<16xf32>
    tpu.vector_store %arg10[%swap3A_517], %swap3A_520 {strides = array<i32>} : memref<512xf32, #tpu.memory_space<vmem>>, vector<16xf32>,
    %get3A_521 = arith.constant 292 : index
    %get3A_522 = tpu.vector_load %arg10[%get3A_521] {strides = array<i32>} : memref<512xf32, #tpu.memory_space<vmem>>, vector<16xf32>,
    %get3A_523 = vector.shape_cast %get3A_522 : vector<16xf32> to vector<16xf32>
    %add3A_524 = arith.addf %add3A_516, %get3A_523 : vector<16xf32>
    %swap3A_525 = arith.constant 288 : index
    %swap3A_526 = tpu.vector_load %arg10[%swap3A_525] {strides = array<i32>} : memref<512xf32, #tpu.memory_space<vmem>>, vector<16xf32>,
    %swap3A_527 = vector.shape_cast %swap3A_526 : vector<16xf32> to vector<16xf32>
    %swap3A_528 = vector.shape_cast %add3A_524 : vector<16xf32> to vector<16xf32>
    tpu.vector_store %arg10[%swap3A_525], %swap3A_528 {strides = array<i32>} : memref<512xf32, #tpu.memory_space<vmem>>, vector<16xf32>,
    %get3A_529 = arith.constant 290 : index
    %get3A_530 = tpu.vector_load %arg10[%get3A_529] {strides = array<i32>} : memref<512xf32, #tpu.memory_space<vmem>>, vector<16xf32>,
    %get3A_531 = vector.shape_cast %get3A_530 : vector<16xf32> to vector<16xf32>
    %add3A_532 = arith.addf %add3A_524, %get3A_531 : vector<16xf32>
    %swap3A_533 = arith.constant 288 : index
    %swap3A_534 = tpu.vector_load %arg10[%swap3A_533] {strides = array<i32>} : memref<512xf32, #tpu.memory_space<vmem>>, vector<16xf32>,
    %swap3A_535 = vector.shape_cast %swap3A_534 : vector<16xf32> to vector<16xf32>
    %swap3A_536 = vector.shape_cast %add3A_532 : vector<16xf32> to vector<16xf32>
    tpu.vector_store %arg10[%swap3A_533], %swap3A_536 {strides = array<i32>} : memref<512xf32, #tpu.memory_space<vmem>>, vector<16xf32>,
    %get3A_537 = arith.constant 289 : index
    %get3A_538 = tpu.vector_load %arg10[%get3A_537] {strides = array<i32>} : memref<512xf32, #tpu.memory_space<vmem>>, vector<16xf32>,
    %get3A_539 = vector.shape_cast %get3A_538 : vector<16xf32> to vector<16xf32>
    %add3A_540 = arith.addf %add3A_532, %get3A_539 : vector<16xf32>
    %eq3A_541 = arith.constant 9 : i32
    %eq3A_542 = vector.broadcast %eq3A_541 : i32 to vector<16xi32>
    %eq3A_543 = arith.cmpi eq, %iota3A, %eq3A_542 : vector<16xi32>
    %slice3A_544 = vector.extract_strided_slice %add3A_540 {offsets = [0], sizes = [1], strides = [1]} : vector<16xf32> to vector<1xf32>
    %squeeze3A_545 = vector.extract %slice3A_544[0] : f32 from vector<1xf32>
    %jit3A_546 = arith.constant 0.000000e+00 : f32
    %broadcast_in_dim3A_547 = vector.broadcast %squeeze3A_545 : f32 to vector<16xf32>
    %broadcast_in_dim3A_548 = vector.broadcast %jit3A_546 : f32 to vector<16xf32>
    %select_n3A_549 = arith.select %eq3A_543, %broadcast_in_dim3A_547, %broadcast_in_dim3A_548 : vector<16xi1>, vector<16xf32>
    %add3A_550 = arith.addf %add3A_508, %select_n3A_549 : vector<16xf32>
    %swap3A_551 = arith.constant 320 : index
    %swap3A_552 = tpu.vector_load %arg10[%swap3A_551] {strides = array<i32>} : memref<512xf32, #tpu.memory_space<vmem>>, vector<16xf32>,
    %swap3A_553 = vector.shape_cast %swap3A_552 : vector<16xf32> to vector<16xf32>
    %swap3A_554 = vector.shape_cast %select_n3A_106 : vector<16xf32> to vector<16xf32>
    tpu.vector_store %arg10[%swap3A_551], %swap3A_554 {strides = array<i32>} : memref<512xf32, #tpu.memory_space<vmem>>, vector<16xf32>,
    %get3A_555 = arith.constant 328 : index
    %get3A_556 = tpu.vector_load %arg10[%get3A_555] {strides = array<i32>} : memref<512xf32, #tpu.memory_space<vmem>>, vector<16xf32>,
    %get3A_557 = vector.shape_cast %get3A_556 : vector<16xf32> to vector<16xf32>
    %add3A_558 = arith.addf %select_n3A_106, %get3A_557 : vector<16xf32>
    %swap3A_559 = arith.constant 320 : index
    %swap3A_560 = tpu.vector_load %arg10[%swap3A_559] {strides = array<i32>} : memref<512xf32, #tpu.memory_space<vmem>>, vector<16xf32>,
    %swap3A_561 = vector.shape_cast %swap3A_560 : vector<16xf32> to vector<16xf32>
    %swap3A_562 = vector.shape_cast %add3A_558 : vector<16xf32> to vector<16xf32>
    tpu.vector_store %arg10[%swap3A_559], %swap3A_562 {strides = array<i32>} : memref<512xf32, #tpu.memory_space<vmem>>, vector<16xf32>,
    %get3A_563 = arith.constant 324 : index
    %get3A_564 = tpu.vector_load %arg10[%get3A_563] {strides = array<i32>} : memref<512xf32, #tpu.memory_space<vmem>>, vector<16xf32>,
    %get3A_565 = vector.shape_cast %get3A_564 : vector<16xf32> to vector<16xf32>
    %add3A_566 = arith.addf %add3A_558, %get3A_565 : vector<16xf32>
    %swap3A_567 = arith.constant 320 : index
    %swap3A_568 = tpu.vector_load %arg10[%swap3A_567] {strides = array<i32>} : memref<512xf32, #tpu.memory_space<vmem>>, vector<16xf32>,
    %swap3A_569 = vector.shape_cast %swap3A_568 : vector<16xf32> to vector<16xf32>
    %swap3A_570 = vector.shape_cast %add3A_566 : vector<16xf32> to vector<16xf32>
    tpu.vector_store %arg10[%swap3A_567], %swap3A_570 {strides = array<i32>} : memref<512xf32, #tpu.memory_space<vmem>>, vector<16xf32>,
    %get3A_571 = arith.constant 322 : index
    %get3A_572 = tpu.vector_load %arg10[%get3A_571] {strides = array<i32>} : memref<512xf32, #tpu.memory_space<vmem>>, vector<16xf32>,
    %get3A_573 = vector.shape_cast %get3A_572 : vector<16xf32> to vector<16xf32>
    %add3A_574 = arith.addf %add3A_566, %get3A_573 : vector<16xf32>
    %swap3A_575 = arith.constant 320 : index
    %swap3A_576 = tpu.vector_load %arg10[%swap3A_575] {strides = array<i32>} : memref<512xf32, #tpu.memory_space<vmem>>, vector<16xf32>,
    %swap3A_577 = vector.shape_cast %swap3A_576 : vector<16xf32> to vector<16xf32>
    %swap3A_578 = vector.shape_cast %add3A_574 : vector<16xf32> to vector<16xf32>
    tpu.vector_store %arg10[%swap3A_575], %swap3A_578 {strides = array<i32>} : memref<512xf32, #tpu.memory_space<vmem>>, vector<16xf32>,
    %get3A_579 = arith.constant 321 : index
    %get3A_580 = tpu.vector_load %arg10[%get3A_579] {strides = array<i32>} : memref<512xf32, #tpu.memory_space<vmem>>, vector<16xf32>,
    %get3A_581 = vector.shape_cast %get3A_580 : vector<16xf32> to vector<16xf32>
    %add3A_582 = arith.addf %add3A_574, %get3A_581 : vector<16xf32>
    %eq3A_583 = arith.constant 10 : i32
    %eq3A_584 = vector.broadcast %eq3A_583 : i32 to vector<16xi32>
    %eq3A_585 = arith.cmpi eq, %iota3A, %eq3A_584 : vector<16xi32>
    %slice3A_586 = vector.extract_strided_slice %add3A_582 {offsets = [0], sizes = [1], strides = [1]} : vector<16xf32> to vector<1xf32>
    %squeeze3A_587 = vector.extract %slice3A_586[0] : f32 from vector<1xf32>
    %jit3A_588 = arith.constant 0.000000e+00 : f32
    %broadcast_in_dim3A_589 = vector.broadcast %squeeze3A_587 : f32 to vector<16xf32>
    %broadcast_in_dim3A_590 = vector.broadcast %jit3A_588 : f32 to vector<16xf32>
    %select_n3A_591 = arith.select %eq3A_585, %broadcast_in_dim3A_589, %broadcast_in_dim3A_590 : vector<16xi1>, vector<16xf32>
    %add3A_592 = arith.addf %add3A_550, %select_n3A_591 : vector<16xf32>
    %swap3A_593 = arith.constant 352 : index
    %swap3A_594 = tpu.vector_load %arg10[%swap3A_593] {strides = array<i32>} : memref<512xf32, #tpu.memory_space<vmem>>, vector<16xf32>,
    %swap3A_595 = vector.shape_cast %swap3A_594 : vector<16xf32> to vector<16xf32>
    %swap3A_596 = vector.shape_cast %select_n3A_111 : vector<16xf32> to vector<16xf32>
    tpu.vector_store %arg10[%swap3A_593], %swap3A_596 {strides = array<i32>} : memref<512xf32, #tpu.memory_space<vmem>>, vector<16xf32>,
    %get3A_597 = arith.constant 360 : index
    %get3A_598 = tpu.vector_load %arg10[%get3A_597] {strides = array<i32>} : memref<512xf32, #tpu.memory_space<vmem>>, vector<16xf32>,
    %get3A_599 = vector.shape_cast %get3A_598 : vector<16xf32> to vector<16xf32>
    %add3A_600 = arith.addf %select_n3A_111, %get3A_599 : vector<16xf32>
    %swap3A_601 = arith.constant 352 : index
    %swap3A_602 = tpu.vector_load %arg10[%swap3A_601] {strides = array<i32>} : memref<512xf32, #tpu.memory_space<vmem>>, vector<16xf32>,
    %swap3A_603 = vector.shape_cast %swap3A_602 : vector<16xf32> to vector<16xf32>
    %swap3A_604 = vector.shape_cast %add3A_600 : vector<16xf32> to vector<16xf32>
    tpu.vector_store %arg10[%swap3A_601], %swap3A_604 {strides = array<i32>} : memref<512xf32, #tpu.memory_space<vmem>>, vector<16xf32>,
    %get3A_605 = arith.constant 356 : index
    %get3A_606 = tpu.vector_load %arg10[%get3A_605] {strides = array<i32>} : memref<512xf32, #tpu.memory_space<vmem>>, vector<16xf32>,
    %get3A_607 = vector.shape_cast %get3A_606 : vector<16xf32> to vector<16xf32>
    %add3A_608 = arith.addf %add3A_600, %get3A_607 : vector<16xf32>
    %swap3A_609 = arith.constant 352 : index
    %swap3A_610 = tpu.vector_load %arg10[%swap3A_609] {strides = array<i32>} : memref<512xf32, #tpu.memory_space<vmem>>, vector<16xf32>,
    %swap3A_611 = vector.shape_cast %swap3A_610 : vector<16xf32> to vector<16xf32>
    %swap3A_612 = vector.shape_cast %add3A_608 : vector<16xf32> to vector<16xf32>
    tpu.vector_store %arg10[%swap3A_609], %swap3A_612 {strides = array<i32>} : memref<512xf32, #tpu.memory_space<vmem>>, vector<16xf32>,
    %get3A_613 = arith.constant 354 : index
    %get3A_614 = tpu.vector_load %arg10[%get3A_613] {strides = array<i32>} : memref<512xf32, #tpu.memory_space<vmem>>, vector<16xf32>,
    %get3A_615 = vector.shape_cast %get3A_614 : vector<16xf32> to vector<16xf32>
    %add3A_616 = arith.addf %add3A_608, %get3A_615 : vector<16xf32>
    %swap3A_617 = arith.constant 352 : index
    %swap3A_618 = tpu.vector_load %arg10[%swap3A_617] {strides = array<i32>} : memref<512xf32, #tpu.memory_space<vmem>>, vector<16xf32>,
    %swap3A_619 = vector.shape_cast %swap3A_618 : vector<16xf32> to vector<16xf32>
    %swap3A_620 = vector.shape_cast %add3A_616 : vector<16xf32> to vector<16xf32>
    tpu.vector_store %arg10[%swap3A_617], %swap3A_620 {strides = array<i32>} : memref<512xf32, #tpu.memory_space<vmem>>, vector<16xf32>,
    %get3A_621 = arith.constant 353 : index
    %get3A_622 = tpu.vector_load %arg10[%get3A_621] {strides = array<i32>} : memref<512xf32, #tpu.memory_space<vmem>>, vector<16xf32>,
    %get3A_623 = vector.shape_cast %get3A_622 : vector<16xf32> to vector<16xf32>
    %add3A_624 = arith.addf %add3A_616, %get3A_623 : vector<16xf32>
    %eq3A_625 = arith.constant 11 : i32
    %eq3A_626 = vector.broadcast %eq3A_625 : i32 to vector<16xi32>
    %eq3A_627 = arith.cmpi eq, %iota3A, %eq3A_626 : vector<16xi32>
    %slice3A_628 = vector.extract_strided_slice %add3A_624 {offsets = [0], sizes = [1], strides = [1]} : vector<16xf32> to vector<1xf32>
    %squeeze3A_629 = vector.extract %slice3A_628[0] : f32 from vector<1xf32>
    %jit3A_630 = arith.constant 0.000000e+00 : f32
    %broadcast_in_dim3A_631 = vector.broadcast %squeeze3A_629 : f32 to vector<16xf32>
    %broadcast_in_dim3A_632 = vector.broadcast %jit3A_630 : f32 to vector<16xf32>
    %select_n3A_633 = arith.select %eq3A_627, %broadcast_in_dim3A_631, %broadcast_in_dim3A_632 : vector<16xi1>, vector<16xf32>
    %add3A_634 = arith.addf %add3A_592, %select_n3A_633 : vector<16xf32>
    %swap3A_635 = arith.constant 384 : index
    %swap3A_636 = tpu.vector_load %arg10[%swap3A_635] {strides = array<i32>} : memref<512xf32, #tpu.memory_space<vmem>>, vector<16xf32>,
    %swap3A_637 = vector.shape_cast %swap3A_636 : vector<16xf32> to vector<16xf32>
    %swap3A_638 = vector.shape_cast %select_n3A_116 : vector<16xf32> to vector<16xf32>
    tpu.vector_store %arg10[%swap3A_635], %swap3A_638 {strides = array<i32>} : memref<512xf32, #tpu.memory_space<vmem>>, vector<16xf32>,
    %get3A_639 = arith.constant 392 : index
    %get3A_640 = tpu.vector_load %arg10[%get3A_639] {strides = array<i32>} : memref<512xf32, #tpu.memory_space<vmem>>, vector<16xf32>,
    %get3A_641 = vector.shape_cast %get3A_640 : vector<16xf32> to vector<16xf32>
    %add3A_642 = arith.addf %select_n3A_116, %get3A_641 : vector<16xf32>
    %swap3A_643 = arith.constant 384 : index
    %swap3A_644 = tpu.vector_load %arg10[%swap3A_643] {strides = array<i32>} : memref<512xf32, #tpu.memory_space<vmem>>, vector<16xf32>,
    %swap3A_645 = vector.shape_cast %swap3A_644 : vector<16xf32> to vector<16xf32>
    %swap3A_646 = vector.shape_cast %add3A_642 : vector<16xf32> to vector<16xf32>
    tpu.vector_store %arg10[%swap3A_643], %swap3A_646 {strides = array<i32>} : memref<512xf32, #tpu.memory_space<vmem>>, vector<16xf32>,
    %get3A_647 = arith.constant 388 : index
    %get3A_648 = tpu.vector_load %arg10[%get3A_647] {strides = array<i32>} : memref<512xf32, #tpu.memory_space<vmem>>, vector<16xf32>,
    %get3A_649 = vector.shape_cast %get3A_648 : vector<16xf32> to vector<16xf32>
    %add3A_650 = arith.addf %add3A_642, %get3A_649 : vector<16xf32>
    %swap3A_651 = arith.constant 384 : index
    %swap3A_652 = tpu.vector_load %arg10[%swap3A_651] {strides = array<i32>} : memref<512xf32, #tpu.memory_space<vmem>>, vector<16xf32>,
    %swap3A_653 = vector.shape_cast %swap3A_652 : vector<16xf32> to vector<16xf32>
    %swap3A_654 = vector.shape_cast %add3A_650 : vector<16xf32> to vector<16xf32>
    tpu.vector_store %arg10[%swap3A_651], %swap3A_654 {strides = array<i32>} : memref<512xf32, #tpu.memory_space<vmem>>, vector<16xf32>,
    %get3A_655 = arith.constant 386 : index
    %get3A_656 = tpu.vector_load %arg10[%get3A_655] {strides = array<i32>} : memref<512xf32, #tpu.memory_space<vmem>>, vector<16xf32>,
    %get3A_657 = vector.shape_cast %get3A_656 : vector<16xf32> to vector<16xf32>
    %add3A_658 = arith.addf %add3A_650, %get3A_657 : vector<16xf32>
    %swap3A_659 = arith.constant 384 : index
    %swap3A_660 = tpu.vector_load %arg10[%swap3A_659] {strides = array<i32>} : memref<512xf32, #tpu.memory_space<vmem>>, vector<16xf32>,
    %swap3A_661 = vector.shape_cast %swap3A_660 : vector<16xf32> to vector<16xf32>
    %swap3A_662 = vector.shape_cast %add3A_658 : vector<16xf32> to vector<16xf32>
    tpu.vector_store %arg10[%swap3A_659], %swap3A_662 {strides = array<i32>} : memref<512xf32, #tpu.memory_space<vmem>>, vector<16xf32>,
    %get3A_663 = arith.constant 385 : index
    %get3A_664 = tpu.vector_load %arg10[%get3A_663] {strides = array<i32>} : memref<512xf32, #tpu.memory_space<vmem>>, vector<16xf32>,
    %get3A_665 = vector.shape_cast %get3A_664 : vector<16xf32> to vector<16xf32>
    %add3A_666 = arith.addf %add3A_658, %get3A_665 : vector<16xf32>
    %eq3A_667 = arith.constant 12 : i32
    %eq3A_668 = vector.broadcast %eq3A_667 : i32 to vector<16xi32>
    %eq3A_669 = arith.cmpi eq, %iota3A, %eq3A_668 : vector<16xi32>
    %slice3A_670 = vector.extract_strided_slice %add3A_666 {offsets = [0], sizes = [1], strides = [1]} : vector<16xf32> to vector<1xf32>
    %squeeze3A_671 = vector.extract %slice3A_670[0] : f32 from vector<1xf32>
    %jit3A_672 = arith.constant 0.000000e+00 : f32
    %broadcast_in_dim3A_673 = vector.broadcast %squeeze3A_671 : f32 to vector<16xf32>
    %broadcast_in_dim3A_674 = vector.broadcast %jit3A_672 : f32 to vector<16xf32>
    %select_n3A_675 = arith.select %eq3A_669, %broadcast_in_dim3A_673, %broadcast_in_dim3A_674 : vector<16xi1>, vector<16xf32>
    %add3A_676 = arith.addf %add3A_634, %select_n3A_675 : vector<16xf32>
    %swap3A_677 = arith.constant 416 : index
    %swap3A_678 = tpu.vector_load %arg10[%swap3A_677] {strides = array<i32>} : memref<512xf32, #tpu.memory_space<vmem>>, vector<16xf32>,
    %swap3A_679 = vector.shape_cast %swap3A_678 : vector<16xf32> to vector<16xf32>
    %swap3A_680 = vector.shape_cast %select_n3A_121 : vector<16xf32> to vector<16xf32>
    tpu.vector_store %arg10[%swap3A_677], %swap3A_680 {strides = array<i32>} : memref<512xf32, #tpu.memory_space<vmem>>, vector<16xf32>,
    %get3A_681 = arith.constant 424 : index
    %get3A_682 = tpu.vector_load %arg10[%get3A_681] {strides = array<i32>} : memref<512xf32, #tpu.memory_space<vmem>>, vector<16xf32>,
    %get3A_683 = vector.shape_cast %get3A_682 : vector<16xf32> to vector<16xf32>
    %add3A_684 = arith.addf %select_n3A_121, %get3A_683 : vector<16xf32>
    %swap3A_685 = arith.constant 416 : index
    %swap3A_686 = tpu.vector_load %arg10[%swap3A_685] {strides = array<i32>} : memref<512xf32, #tpu.memory_space<vmem>>, vector<16xf32>,
    %swap3A_687 = vector.shape_cast %swap3A_686 : vector<16xf32> to vector<16xf32>
    %swap3A_688 = vector.shape_cast %add3A_684 : vector<16xf32> to vector<16xf32>
    tpu.vector_store %arg10[%swap3A_685], %swap3A_688 {strides = array<i32>} : memref<512xf32, #tpu.memory_space<vmem>>, vector<16xf32>,
    %get3A_689 = arith.constant 420 : index
    %get3A_690 = tpu.vector_load %arg10[%get3A_689] {strides = array<i32>} : memref<512xf32, #tpu.memory_space<vmem>>, vector<16xf32>,
    %get3A_691 = vector.shape_cast %get3A_690 : vector<16xf32> to vector<16xf32>
    %add3A_692 = arith.addf %add3A_684, %get3A_691 : vector<16xf32>
    %swap3A_693 = arith.constant 416 : index
    %swap3A_694 = tpu.vector_load %arg10[%swap3A_693] {strides = array<i32>} : memref<512xf32, #tpu.memory_space<vmem>>, vector<16xf32>,
    %swap3A_695 = vector.shape_cast %swap3A_694 : vector<16xf32> to vector<16xf32>
    %swap3A_696 = vector.shape_cast %add3A_692 : vector<16xf32> to vector<16xf32>
    tpu.vector_store %arg10[%swap3A_693], %swap3A_696 {strides = array<i32>} : memref<512xf32, #tpu.memory_space<vmem>>, vector<16xf32>,
    %get3A_697 = arith.constant 418 : index
    %get3A_698 = tpu.vector_load %arg10[%get3A_697] {strides = array<i32>} : memref<512xf32, #tpu.memory_space<vmem>>, vector<16xf32>,
    %get3A_699 = vector.shape_cast %get3A_698 : vector<16xf32> to vector<16xf32>
    %add3A_700 = arith.addf %add3A_692, %get3A_699 : vector<16xf32>
    %swap3A_701 = arith.constant 416 : index
    %swap3A_702 = tpu.vector_load %arg10[%swap3A_701] {strides = array<i32>} : memref<512xf32, #tpu.memory_space<vmem>>, vector<16xf32>,
    %swap3A_703 = vector.shape_cast %swap3A_702 : vector<16xf32> to vector<16xf32>
    %swap3A_704 = vector.shape_cast %add3A_700 : vector<16xf32> to vector<16xf32>
    tpu.vector_store %arg10[%swap3A_701], %swap3A_704 {strides = array<i32>} : memref<512xf32, #tpu.memory_space<vmem>>, vector<16xf32>,
    %get3A_705 = arith.constant 417 : index
    %get3A_706 = tpu.vector_load %arg10[%get3A_705] {strides = array<i32>} : memref<512xf32, #tpu.memory_space<vmem>>, vector<16xf32>,
    %get3A_707 = vector.shape_cast %get3A_706 : vector<16xf32> to vector<16xf32>
    %add3A_708 = arith.addf %add3A_700, %get3A_707 : vector<16xf32>
    %eq3A_709 = arith.constant 13 : i32
    %eq3A_710 = vector.broadcast %eq3A_709 : i32 to vector<16xi32>
    %eq3A_711 = arith.cmpi eq, %iota3A, %eq3A_710 : vector<16xi32>
    %slice3A_712 = vector.extract_strided_slice %add3A_708 {offsets = [0], sizes = [1], strides = [1]} : vector<16xf32> to vector<1xf32>
    %squeeze3A_713 = vector.extract %slice3A_712[0] : f32 from vector<1xf32>
    %jit3A_714 = arith.constant 0.000000e+00 : f32
    %broadcast_in_dim3A_715 = vector.broadcast %squeeze3A_713 : f32 to vector<16xf32>
    %broadcast_in_dim3A_716 = vector.broadcast %jit3A_714 : f32 to vector<16xf32>
    %select_n3A_717 = arith.select %eq3A_711, %broadcast_in_dim3A_715, %broadcast_in_dim3A_716 : vector<16xi1>, vector<16xf32>
    %add3A_718 = arith.addf %add3A_676, %select_n3A_717 : vector<16xf32>
    %swap3A_719 = arith.constant 448 : index
    %swap3A_720 = tpu.vector_load %arg10[%swap3A_719] {strides = array<i32>} : memref<512xf32, #tpu.memory_space<vmem>>, vector<16xf32>,
    %swap3A_721 = vector.shape_cast %swap3A_720 : vector<16xf32> to vector<16xf32>
    %swap3A_722 = vector.shape_cast %select_n3A_126 : vector<16xf32> to vector<16xf32>
    tpu.vector_store %arg10[%swap3A_719], %swap3A_722 {strides = array<i32>} : memref<512xf32, #tpu.memory_space<vmem>>, vector<16xf32>,
    %get3A_723 = arith.constant 456 : index
    %get3A_724 = tpu.vector_load %arg10[%get3A_723] {strides = array<i32>} : memref<512xf32, #tpu.memory_space<vmem>>, vector<16xf32>,
    %get3A_725 = vector.shape_cast %get3A_724 : vector<16xf32> to vector<16xf32>
    %add3A_726 = arith.addf %select_n3A_126, %get3A_725 : vector<16xf32>
    %swap3A_727 = arith.constant 448 : index
    %swap3A_728 = tpu.vector_load %arg10[%swap3A_727] {strides = array<i32>} : memref<512xf32, #tpu.memory_space<vmem>>, vector<16xf32>,
    %swap3A_729 = vector.shape_cast %swap3A_728 : vector<16xf32> to vector<16xf32>
    %swap3A_730 = vector.shape_cast %add3A_726 : vector<16xf32> to vector<16xf32>
    tpu.vector_store %arg10[%swap3A_727], %swap3A_730 {strides = array<i32>} : memref<512xf32, #tpu.memory_space<vmem>>, vector<16xf32>,
    %get3A_731 = arith.constant 452 : index
    %get3A_732 = tpu.vector_load %arg10[%get3A_731] {strides = array<i32>} : memref<512xf32, #tpu.memory_space<vmem>>, vector<16xf32>,
    %get3A_733 = vector.shape_cast %get3A_732 : vector<16xf32> to vector<16xf32>
    %add3A_734 = arith.addf %add3A_726, %get3A_733 : vector<16xf32>
    %swap3A_735 = arith.constant 448 : index
    %swap3A_736 = tpu.vector_load %arg10[%swap3A_735] {strides = array<i32>} : memref<512xf32, #tpu.memory_space<vmem>>, vector<16xf32>,
    %swap3A_737 = vector.shape_cast %swap3A_736 : vector<16xf32> to vector<16xf32>
    %swap3A_738 = vector.shape_cast %add3A_734 : vector<16xf32> to vector<16xf32>
    tpu.vector_store %arg10[%swap3A_735], %swap3A_738 {strides = array<i32>} : memref<512xf32, #tpu.memory_space<vmem>>, vector<16xf32>,
    %get3A_739 = arith.constant 450 : index
    %get3A_740 = tpu.vector_load %arg10[%get3A_739] {strides = array<i32>} : memref<512xf32, #tpu.memory_space<vmem>>, vector<16xf32>,
    %get3A_741 = vector.shape_cast %get3A_740 : vector<16xf32> to vector<16xf32>
    %add3A_742 = arith.addf %add3A_734, %get3A_741 : vector<16xf32>
    %swap3A_743 = arith.constant 448 : index
    %swap3A_744 = tpu.vector_load %arg10[%swap3A_743] {strides = array<i32>} : memref<512xf32, #tpu.memory_space<vmem>>, vector<16xf32>,
    %swap3A_745 = vector.shape_cast %swap3A_744 : vector<16xf32> to vector<16xf32>
    %swap3A_746 = vector.shape_cast %add3A_742 : vector<16xf32> to vector<16xf32>
    tpu.vector_store %arg10[%swap3A_743], %swap3A_746 {strides = array<i32>} : memref<512xf32, #tpu.memory_space<vmem>>, vector<16xf32>,
    %get3A_747 = arith.constant 449 : index
    %get3A_748 = tpu.vector_load %arg10[%get3A_747] {strides = array<i32>} : memref<512xf32, #tpu.memory_space<vmem>>, vector<16xf32>,
    %get3A_749 = vector.shape_cast %get3A_748 : vector<16xf32> to vector<16xf32>
    %add3A_750 = arith.addf %add3A_742, %get3A_749 : vector<16xf32>
    %eq3A_751 = arith.constant 14 : i32
    %eq3A_752 = vector.broadcast %eq3A_751 : i32 to vector<16xi32>
    %eq3A_753 = arith.cmpi eq, %iota3A, %eq3A_752 : vector<16xi32>
    %slice3A_754 = vector.extract_strided_slice %add3A_750 {offsets = [0], sizes = [1], strides = [1]} : vector<16xf32> to vector<1xf32>
    %squeeze3A_755 = vector.extract %slice3A_754[0] : f32 from vector<1xf32>
    %jit3A_756 = arith.constant 0.000000e+00 : f32
    %broadcast_in_dim3A_757 = vector.broadcast %squeeze3A_755 : f32 to vector<16xf32>
    %broadcast_in_dim3A_758 = vector.broadcast %jit3A_756 : f32 to vector<16xf32>
    %select_n3A_759 = arith.select %eq3A_753, %broadcast_in_dim3A_757, %broadcast_in_dim3A_758 : vector<16xi1>, vector<16xf32>
    %add3A_760 = arith.addf %add3A_718, %select_n3A_759 : vector<16xf32>
    %swap3A_761 = arith.constant 480 : index
    %swap3A_762 = tpu.vector_load %arg10[%swap3A_761] {strides = array<i32>} : memref<512xf32, #tpu.memory_space<vmem>>, vector<16xf32>,
    %swap3A_763 = vector.shape_cast %swap3A_762 : vector<16xf32> to vector<16xf32>
    %swap3A_764 = vector.shape_cast %select_n3A_131 : vector<16xf32> to vector<16xf32>
    tpu.vector_store %arg10[%swap3A_761], %swap3A_764 {strides = array<i32>} : memref<512xf32, #tpu.memory_space<vmem>>, vector<16xf32>,
    %get3A_765 = arith.constant 488 : index
    %get3A_766 = tpu.vector_load %arg10[%get3A_765] {strides = array<i32>} : memref<512xf32, #tpu.memory_space<vmem>>, vector<16xf32>,
    %get3A_767 = vector.shape_cast %get3A_766 : vector<16xf32> to vector<16xf32>
    %add3A_768 = arith.addf %select_n3A_131, %get3A_767 : vector<16xf32>
    %swap3A_769 = arith.constant 480 : index
    %swap3A_770 = tpu.vector_load %arg10[%swap3A_769] {strides = array<i32>} : memref<512xf32, #tpu.memory_space<vmem>>, vector<16xf32>,
    %swap3A_771 = vector.shape_cast %swap3A_770 : vector<16xf32> to vector<16xf32>
    %swap3A_772 = vector.shape_cast %add3A_768 : vector<16xf32> to vector<16xf32>
    tpu.vector_store %arg10[%swap3A_769], %swap3A_772 {strides = array<i32>} : memref<512xf32, #tpu.memory_space<vmem>>, vector<16xf32>,
    %get3A_773 = arith.constant 484 : index
    %get3A_774 = tpu.vector_load %arg10[%get3A_773] {strides = array<i32>} : memref<512xf32, #tpu.memory_space<vmem>>, vector<16xf32>,
    %get3A_775 = vector.shape_cast %get3A_774 : vector<16xf32> to vector<16xf32>
    %add3A_776 = arith.addf %add3A_768, %get3A_775 : vector<16xf32>
    %swap3A_777 = arith.constant 480 : index
    %swap3A_778 = tpu.vector_load %arg10[%swap3A_777] {strides = array<i32>} : memref<512xf32, #tpu.memory_space<vmem>>, vector<16xf32>,
    %swap3A_779 = vector.shape_cast %swap3A_778 : vector<16xf32> to vector<16xf32>
    %swap3A_780 = vector.shape_cast %add3A_776 : vector<16xf32> to vector<16xf32>
    tpu.vector_store %arg10[%swap3A_777], %swap3A_780 {strides = array<i32>} : memref<512xf32, #tpu.memory_space<vmem>>, vector<16xf32>,
    %get3A_781 = arith.constant 482 : index
    %get3A_782 = tpu.vector_load %arg10[%get3A_781] {strides = array<i32>} : memref<512xf32, #tpu.memory_space<vmem>>, vector<16xf32>,
    %get3A_783 = vector.shape_cast %get3A_782 : vector<16xf32> to vector<16xf32>
    %add3A_784 = arith.addf %add3A_776, %get3A_783 : vector<16xf32>
    %swap3A_785 = arith.constant 480 : index
    %swap3A_786 = tpu.vector_load %arg10[%swap3A_785] {strides = array<i32>} : memref<512xf32, #tpu.memory_space<vmem>>, vector<16xf32>,
    %swap3A_787 = vector.shape_cast %swap3A_786 : vector<16xf32> to vector<16xf32>
    %swap3A_788 = vector.shape_cast %add3A_784 : vector<16xf32> to vector<16xf32>
    tpu.vector_store %arg10[%swap3A_785], %swap3A_788 {strides = array<i32>} : memref<512xf32, #tpu.memory_space<vmem>>, vector<16xf32>,
    %get3A_789 = arith.constant 481 : index
    %get3A_790 = tpu.vector_load %arg10[%get3A_789] {strides = array<i32>} : memref<512xf32, #tpu.memory_space<vmem>>, vector<16xf32>,
    %get3A_791 = vector.shape_cast %get3A_790 : vector<16xf32> to vector<16xf32>
    %add3A_792 = arith.addf %add3A_784, %get3A_791 : vector<16xf32>
    %eq3A_793 = arith.constant 15 : i32
    %eq3A_794 = vector.broadcast %eq3A_793 : i32 to vector<16xi32>
    %eq3A_795 = arith.cmpi eq, %iota3A, %eq3A_794 : vector<16xi32>
    %slice3A_796 = vector.extract_strided_slice %add3A_792 {offsets = [0], sizes = [1], strides = [1]} : vector<16xf32> to vector<1xf32>
    %squeeze3A_797 = vector.extract %slice3A_796[0] : f32 from vector<1xf32>
    %jit3A_798 = arith.constant 0.000000e+00 : f32
    %broadcast_in_dim3A_799 = vector.broadcast %squeeze3A_797 : f32 to vector<16xf32>
    %broadcast_in_dim3A_800 = vector.broadcast %jit3A_798 : f32 to vector<16xf32>
    %select_n3A_801 = arith.select %eq3A_795, %broadcast_in_dim3A_799, %broadcast_in_dim3A_800 : vector<16xi1>, vector<16xf32>
    %add3A_802 = arith.addf %add3A_760, %select_n3A_801 : vector<16xf32>
    %swap3A_803 = arith.constant 0 : index
    %swap3A_804 = tpu.vector_load %arg9[%swap3A_803] {strides = array<i32>} : memref<16xf32, #tpu.memory_space<vmem>>, vector<16xf32>,
    %swap3A_805 = vector.shape_cast %swap3A_804 : vector<16xf32> to vector<16xf32>
    %swap3A_806 = vector.shape_cast %add3A_802 : vector<16xf32> to vector<16xf32>
    tpu.vector_store %arg9[%swap3A_803], %swap3A_806 {strides = array<i32>} : memref<16xf32, #tpu.memory_space<vmem>>, vector<16xf32>,
    %mul3A_807 = arith.constant 64 : i32
    %mul3A_808 = arith.muli %arg1, %mul3A_807 : i32
    "tpu.region"() ({
      %run_scoped3A = tpu.sem_alloc : memref<!tpu.dma_semaphore, #tpu.memory_space<semaphore_mem>>
      %dma_start3A_812 = tpu.memref_slice %arg12[%mul3A_808] : memref<1024xf32, #tpu.memory_space<vmem_shared>> -> memref<16xf32, #tpu.memory_space<vmem_shared>>
      %dma_start3A_813 = tpu.memref_slice %arg12[%mul3A_808] : memref<1024xf32, #tpu.memory_space<vmem_shared>> -> memref<16xf32, #tpu.memory_space<vmem_shared>>
      tpu.enqueue_dma source(%arg9 : memref<16xf32, #tpu.memory_space<vmem>>) target(%dma_start3A_813 : memref<16xf32, #tpu.memory_space<vmem_shared>>) target_semaphore(%run_scoped3A : memref<!tpu.dma_semaphore, #tpu.memory_space<semaphore_mem>>)
      %dma_wait3A_814 = tpu.memref_slice %arg12[%mul3A_808] : memref<1024xf32, #tpu.memory_space<vmem_shared>> -> memref<16xf32, #tpu.memory_space<vmem_shared>>
      %dma_wait3A_815 = tpu.memref_slice %arg12[%mul3A_808] : memref<1024xf32, #tpu.memory_space<vmem_shared>> -> memref<16xf32, #tpu.memory_space<vmem_shared>>
      tpu.wait_dma2 semaphore(%run_scoped3A : memref<!tpu.dma_semaphore, #tpu.memory_space<semaphore_mem>>) src(%arg9 : memref<16xf32, #tpu.memory_space<vmem>>) dst(%dma_wait3A_815 : memref<16xf32, #tpu.memory_space<vmem_shared>>)
      tpu.yield
    }) : () -> ()
    %barrier3A = arith.constant 0 : index
    tpu.barrier barrier_id(%barrier3A)
    %eq3A_809 = arith.constant 0 : i32
    %eq3A_810 = arith.cmpi eq, %arg1, %eq3A_809 : i32
    %convert_element_type3A = arith.extui %eq3A_810 : i1 to i32
    %cond3A = arith.constant 0 : i32
    %cond3A_811 = arith.cmpi ne, %convert_element_type3A, %cond3A : i32
    scf.if %cond3A_811 {
      "tpu.region"() ({
        %run_scoped3A = tpu.sem_alloc : memref<!tpu.dma_semaphore, #tpu.memory_space<semaphore_mem>>
        tpu.enqueue_dma source(%arg12 : memref<1024xf32, #tpu.memory_space<vmem_shared>>) target(%arg11 : memref<1024xf32, #tpu.memory_space<vmem>>) target_semaphore(%run_scoped3A : memref<!tpu.dma_semaphore, #tpu.memory_space<semaphore_mem>>)
        tpu.wait_dma2 semaphore(%run_scoped3A : memref<!tpu.dma_semaphore, #tpu.memory_space<semaphore_mem>>) src(%arg12 : memref<1024xf32, #tpu.memory_space<vmem_shared>>) dst(%arg11 : memref<1024xf32, #tpu.memory_space<vmem>>)
        tpu.yield
      }) : () -> ()
      %get3A_812 = arith.constant 0 : index
      %get3A_813 = tpu.vector_load %arg11[%get3A_812] {strides = array<i32>} : memref<1024xf32, #tpu.memory_space<vmem>>, vector<16xf32>,
      %get3A_814 = vector.shape_cast %get3A_813 : vector<16xf32> to vector<16xf32>
      %add3A_815 = arith.addf %broadcast_in_dim3A_9, %get3A_814 : vector<16xf32>
      %get3A_816 = arith.constant 64 : index
      %get3A_817 = tpu.vector_load %arg11[%get3A_816] {strides = array<i32>} : memref<1024xf32, #tpu.memory_space<vmem>>, vector<16xf32>,
      %get3A_818 = vector.shape_cast %get3A_817 : vector<16xf32> to vector<16xf32>
      %add3A_819 = arith.addf %add3A_815, %get3A_818 : vector<16xf32>
      %get3A_820 = arith.constant 128 : index
      %get3A_821 = tpu.vector_load %arg11[%get3A_820] {strides = array<i32>} : memref<1024xf32, #tpu.memory_space<vmem>>, vector<16xf32>,
      %get3A_822 = vector.shape_cast %get3A_821 : vector<16xf32> to vector<16xf32>
      %add3A_823 = arith.addf %add3A_819, %get3A_822 : vector<16xf32>
      %get3A_824 = arith.constant 192 : index
      %get3A_825 = tpu.vector_load %arg11[%get3A_824] {strides = array<i32>} : memref<1024xf32, #tpu.memory_space<vmem>>, vector<16xf32>,
      %get3A_826 = vector.shape_cast %get3A_825 : vector<16xf32> to vector<16xf32>
      %add3A_827 = arith.addf %add3A_823, %get3A_826 : vector<16xf32>
      %get3A_828 = arith.constant 256 : index
      %get3A_829 = tpu.vector_load %arg11[%get3A_828] {strides = array<i32>} : memref<1024xf32, #tpu.memory_space<vmem>>, vector<16xf32>,
      %get3A_830 = vector.shape_cast %get3A_829 : vector<16xf32> to vector<16xf32>
      %add3A_831 = arith.addf %add3A_827, %get3A_830 : vector<16xf32>
      %get3A_832 = arith.constant 320 : index
      %get3A_833 = tpu.vector_load %arg11[%get3A_832] {strides = array<i32>} : memref<1024xf32, #tpu.memory_space<vmem>>, vector<16xf32>,
      %get3A_834 = vector.shape_cast %get3A_833 : vector<16xf32> to vector<16xf32>
      %add3A_835 = arith.addf %add3A_831, %get3A_834 : vector<16xf32>
      %get3A_836 = arith.constant 384 : index
      %get3A_837 = tpu.vector_load %arg11[%get3A_836] {strides = array<i32>} : memref<1024xf32, #tpu.memory_space<vmem>>, vector<16xf32>,
      %get3A_838 = vector.shape_cast %get3A_837 : vector<16xf32> to vector<16xf32>
      %add3A_839 = arith.addf %add3A_835, %get3A_838 : vector<16xf32>
      %get3A_840 = arith.constant 448 : index
      %get3A_841 = tpu.vector_load %arg11[%get3A_840] {strides = array<i32>} : memref<1024xf32, #tpu.memory_space<vmem>>, vector<16xf32>,
      %get3A_842 = vector.shape_cast %get3A_841 : vector<16xf32> to vector<16xf32>
      %add3A_843 = arith.addf %add3A_839, %get3A_842 : vector<16xf32>
      %get3A_844 = arith.constant 512 : index
      %get3A_845 = tpu.vector_load %arg11[%get3A_844] {strides = array<i32>} : memref<1024xf32, #tpu.memory_space<vmem>>, vector<16xf32>,
      %get3A_846 = vector.shape_cast %get3A_845 : vector<16xf32> to vector<16xf32>
      %add3A_847 = arith.addf %add3A_843, %get3A_846 : vector<16xf32>
      %get3A_848 = arith.constant 576 : index
      %get3A_849 = tpu.vector_load %arg11[%get3A_848] {strides = array<i32>} : memref<1024xf32, #tpu.memory_space<vmem>>, vector<16xf32>,
      %get3A_850 = vector.shape_cast %get3A_849 : vector<16xf32> to vector<16xf32>
      %add3A_851 = arith.addf %add3A_847, %get3A_850 : vector<16xf32>
      %get3A_852 = arith.constant 640 : index
      %get3A_853 = tpu.vector_load %arg11[%get3A_852] {strides = array<i32>} : memref<1024xf32, #tpu.memory_space<vmem>>, vector<16xf32>,
      %get3A_854 = vector.shape_cast %get3A_853 : vector<16xf32> to vector<16xf32>
      %add3A_855 = arith.addf %add3A_851, %get3A_854 : vector<16xf32>
      %get3A_856 = arith.constant 704 : index
      %get3A_857 = tpu.vector_load %arg11[%get3A_856] {strides = array<i32>} : memref<1024xf32, #tpu.memory_space<vmem>>, vector<16xf32>,
      %get3A_858 = vector.shape_cast %get3A_857 : vector<16xf32> to vector<16xf32>
      %add3A_859 = arith.addf %add3A_855, %get3A_858 : vector<16xf32>
      %get3A_860 = arith.constant 768 : index
      %get3A_861 = tpu.vector_load %arg11[%get3A_860] {strides = array<i32>} : memref<1024xf32, #tpu.memory_space<vmem>>, vector<16xf32>,
      %get3A_862 = vector.shape_cast %get3A_861 : vector<16xf32> to vector<16xf32>
      %add3A_863 = arith.addf %add3A_859, %get3A_862 : vector<16xf32>
      %get3A_864 = arith.constant 832 : index
      %get3A_865 = tpu.vector_load %arg11[%get3A_864] {strides = array<i32>} : memref<1024xf32, #tpu.memory_space<vmem>>, vector<16xf32>,
      %get3A_866 = vector.shape_cast %get3A_865 : vector<16xf32> to vector<16xf32>
      %add3A_867 = arith.addf %add3A_863, %get3A_866 : vector<16xf32>
      %get3A_868 = arith.constant 896 : index
      %get3A_869 = tpu.vector_load %arg11[%get3A_868] {strides = array<i32>} : memref<1024xf32, #tpu.memory_space<vmem>>, vector<16xf32>,
      %get3A_870 = vector.shape_cast %get3A_869 : vector<16xf32> to vector<16xf32>
      %add3A_871 = arith.addf %add3A_867, %get3A_870 : vector<16xf32>
      %get3A_872 = arith.constant 960 : index
      %get3A_873 = tpu.vector_load %arg11[%get3A_872] {strides = array<i32>} : memref<1024xf32, #tpu.memory_space<vmem>>, vector<16xf32>,
      %get3A_874 = vector.shape_cast %get3A_873 : vector<16xf32> to vector<16xf32>
      %add3A_875 = arith.addf %add3A_871, %get3A_874 : vector<16xf32>
      %get3A_876 = arith.constant 16 : index
      %get3A_877 = tpu.vector_load %arg8[%get3A_876] {strides = array<i32>} : memref<32xi32, #tpu.memory_space<vmem>>, vector<16xi32>,
      %get3A_878 = vector.shape_cast %get3A_877 : vector<16xi32> to vector<16xi32>
      %lt3A_879 = arith.cmpi slt, %iota3A, %get3A_878 : vector<16xi32>
      %select_n3A_880 = arith.select %lt3A_879, %add3A_875, %broadcast_in_dim3A_9 : vector<16xi1>, vector<16xf32>
      %swap3A_881 = arith.constant 0 : index
      %swap3A_882 = tpu.vector_load %arg9[%swap3A_881] {strides = array<i32>} : memref<16xf32, #tpu.memory_space<vmem>>, vector<16xf32>,
      %swap3A_883 = vector.shape_cast %swap3A_882 : vector<16xf32> to vector<16xf32>
      %swap3A_884 = vector.shape_cast %select_n3A_880 : vector<16xf32> to vector<16xf32>
      tpu.vector_store %arg9[%swap3A_881], %swap3A_884 {strides = array<i32>} : memref<16xf32, #tpu.memory_space<vmem>>, vector<16xf32>,
      "tpu.region"() ({
        %run_scoped3A = tpu.sem_alloc : memref<!tpu.dma_semaphore, #tpu.memory_space<semaphore_mem>>
        tpu.enqueue_dma source(%arg9 : memref<16xf32, #tpu.memory_space<vmem>>) target(%arg5 : memref<16xf32, #tpu.memory_space<hbm>>) target_semaphore(%run_scoped3A : memref<!tpu.dma_semaphore, #tpu.memory_space<semaphore_mem>>)
        tpu.wait_dma2 semaphore(%run_scoped3A : memref<!tpu.dma_semaphore, #tpu.memory_space<semaphore_mem>>) src(%arg9 : memref<16xf32, #tpu.memory_space<vmem>>) dst(%arg5 : memref<16xf32, #tpu.memory_space<hbm>>)
        tpu.yield
      }) : () -> ()
    } else {
    }
    return
  }
}

</mosaic_0001>

<sc_bundles>
// kernel: kernel.3.cloned.1.call-start
scs
__scs_entry_jumppad:
0x0: {  	(pc) =	sbr.rel $0x88, $3  }
0x1: {  	(tag) =	ssettag $0x0;
	lr =	simm.s32 $0x1  }
0x2: {  	[smem:$0x3F9D] =	sst lr;
	_ =	strace $0xD0000000  }
0x3: {  	_ = 	snop  }
0x4: {  	_ = 	snop  }
0x5: {  	_ = 	snop  }
0x6: {  	_ = 	snop  }
0x7: {  	_ = 	snop  }
__scs_overlays_trampoline_lowered:
0x8: {  	[smem:$0x3FAC] =	sst s0  }
0x9: {  	[smem:$0x3FAD] =	sst s1  }
0xa: {  	[smem:$0x3FAE] =	sst s2  }
0xb: {  	[smem:$0x3FAF] =	sst s3  }
0xc: {  	[smem:$0x3FB0] =	sst s4  }
0xd: {  	[smem:$0x3FB1] =	sst s5  }
0xe: {  	[smem:$0x3FB2] =	sst s6  }
0xf: {  	[smem:$0x3FB3] =	sst s7  }
0x10: {  	[smem:$0x3FB4] =	sst s8  }
0x11: {  	[smem:$0x3FB5] =	sst s9;
	s0 =	simm.s32 @!p0 $0x0  }
0x12: {  	s1 =	sld [smem:$0x3F9B];
	s0 =	simm.s32 @p0 $0x1  }
0x13: {  	[smem:$0x3FB6] =	sst s0;
	s0 =	simm.s32 @!p1 $0x0  }
0x14: {  	s2 =	sld [smem:$0x3F9A];
	s0 =	simm.s32 @p1 $0x1  }
0x15: {  	[smem:$0x3FB7] =	sst s0;
	s0 =	simm.s32 @!p2 $0x0  }
0x16: {  	s3 =	sld [smem:$0x3FDB];
	s0 =	simm.s32 @p2 $0x1  }
0x17: {  	s4 =	simm.s32 $0x1BF5;
	[smem:$0x3FB9] =	sst s0  }
0x18: {  	s0 =	sld [smem:$0x3F9C];
	_ =	swait.ge [sflag:s4], $0x0  }
0x19: {  	s7 =	sld [smem:$0x3F9D]  }
0x1a: {  	s8 =	sadd.s32 $0xFFFFE003, lr  }
0x1b: {  	s9 =	sadd.s32 $0xFFFFFEF7, lr;
	s5 =	simm.s32 $0xFFFFFFFF;
	p2 =	slt.u32 s8, $0xFFFFF086  }
0x1c: {  	p1 =	slt.u32 s9, $0xF7A;
	s5 =	simm.s32 @!p2 $0x0  }
0x1d: {  	s5 =	simm.s32 @p1 $0x1;
	p0 =	seq.s32 s7, s2  }
0x1e: {  	s7 =	smul.u32 @!p0 $0xF7A, s2;
	p2 =	seq.s32 @!p0 s5, $0x0  }
0x1f: {  	s9 =	smul.u32 $0xF7A, s1;
	s8 =	simm.s32 @!p0 $0x1BF5;
	p2 =	por !p2, p0  }
0x20: {  	[sflag:s8] =	ssyncset.s32 @!p0 $0xFFFFF086;
	s6 =	sadd.s32 @!p0 s3, s7;
	s7 =	simm.s32 @!p0 $0x108  }
0x21: {  	s3 =	sadd.s32 s3, s9;
	s6 =	sadd.s32 @!p0 $0x88, s6;
	s7 =	simm.s32 @p2 $0x1082  }
0x22: {  	[simem:s7], [sflag:s8] =	dma.local @!p0 [hbm:s6], $0xF7A  }
0x23: {  	s9 =	sor.u32 $0xD0000000, s2;
	s6 =	simm.s32 $0x108;
	_ =	swait.ge @!p0 [sflag:s8], $0x0  }
0x24: {  	s3 =	sadd.s32 $0x88, s3;
	s6 =	simm.s32 @!p1 $0x1082;
	[sflag:s4] =	ssyncset.s32 $0xFFFFF086  }
0x25: {  	[simem:s6], [sflag:s4] =	dma.local [hbm:s3], $0xF7A  }
0x26: {  	[smem:$0x3F9D] =	sst s1;
	(tag) =	ssettag s2;
	_ =	strace s9  }
0x27: {  	s1 =	sld [smem:$0x3FAD]  }
0x28: {  	s2 =	sld [smem:$0x3FAE]  }
0x29: {  	s4 =	sld [smem:$0x3FB0]  }
0x2a: {  	p0 =	seq.s32 s5, $0x0;
	s5 =	sld [smem:$0x3FB1]  }
0x2b: {  	s6 =	sld [smem:$0x3FB2]  }
0x2c: {  	s7 =	sld [smem:$0x3FB3]  }
0x2d: {  	s3 =	simm.s32 $0x108;
	s8 =	sld [smem:$0x3FB4]  }
0x2e: {  	s3 =	simm.s32 @!p0 $0x1082;
	s9 =	sld [smem:$0x3FB5]  }
0x2f: {  	lr =	sadd.s32 s0, s3;
	s0 =	sld [smem:$0x3FAC]  }
0x30: {  	s3 =	sld [smem:$0x3FAF]  }
0x31: {  	[smem:$0x3FB8] =	sst s10  }
0x32: {  	s10 =	sld [smem:$0x3FB6];
	_ =	sdelay $0x3  }
0x33: {  	p0 =	seq.s32 s10, $0x1;
	s10 =	sld [smem:$0x3FB8];
	_ =	sdelay $0x3  }
0x34: {  	[smem:$0x3FB8] =	sst s10  }
0x35: {  	s10 =	sld [smem:$0x3FB7];
	_ =	sdelay $0x3  }
0x36: {  	p1 =	seq.s32 s10, $0x1;
	s10 =	sld [smem:$0x3FB8];
	_ =	sdelay $0x3  }
0x37: {  	[smem:$0x3FB8] =	sst s10  }
0x38: {  	s10 =	sld [smem:$0x3FB9]  }
0x39: {  	_ = 	snop;
	(pc) =	sbr.ind lr, $3  }
0x3a: {  	_ = 	snop  }
0x3b: {  	_ = 	snop  }
0x3c: {  	p2 =	seq.s32 s10, $0x1;
	s10 =	sld [smem:$0x3FB8]  }
0x3d: {  	_ =	shalt  }
0x3e: {  	_ =	shalt  }
0x3f: {  	_ =	shalt  }
0x40: {  	_ =	shalt  }
0x41: {  	_ =	shalt  }
0x42: {  	_ =	shalt  }
0x43: {  	_ =	shalt  }
0x44: {  	_ =	shalt  }
0x45: {  	_ =	shalt  }
0x46: {  	_ =	shalt  }
0x47: {  	_ =	shalt  }
0x48: {  	_ =	shalt  }
0x49: {  	_ =	shalt  }
0x4a: {  	_ =	shalt  }
0x4b: {  	_ =	shalt  }
0x4c: {  	_ =	shalt  }
0x4d: {  	_ =	shalt  }
0x4e: {  	_ =	shalt  }
0x4f: {  	_ =	shalt  }
0x50: {  	_ =	shalt  }
0x51: {  	_ =	shalt  }
0x52: {  	_ =	shalt  }
0x53: {  	_ =	shalt  }
0x54: {  	_ =	shalt  }
0x55: {  	_ =	shalt  }
0x56: {  	_ =	shalt  }
0x57: {  	_ =	shalt  }
0x58: {  	_ =	shalt  }
0x59: {  	_ =	shalt  }
0x5a: {  	_ =	shalt  }
0x5b: {  	_ =	shalt  }
0x5c: {  	_ =	shalt  }
0x5d: {  	_ =	shalt  }
0x5e: {  	_ =	shalt  }
0x5f: {  	_ =	shalt  }
0x60: {  	_ =	shalt  }
0x61: {  	_ =	shalt  }
0x62: {  	_ =	shalt  }
0x63: {  	_ =	shalt  }
0x64: {  	_ =	shalt  }
0x65: {  	_ =	shalt  }
0x66: {  	_ =	shalt  }
0x67: {  	_ =	shalt  }
0x68: {  	_ =	shalt  }
0x69: {  	_ =	shalt  }
0x6a: {  	_ =	shalt  }
0x6b: {  	_ =	shalt  }
0x6c: {  	_ =	shalt  }
0x6d: {  	_ =	shalt  }
0x6e: {  	_ =	shalt  }
0x6f: {  	_ =	shalt  }
0x70: {  	_ =	shalt  }
0x71: {  	_ =	shalt  }
0x72: {  	_ =	shalt  }
0x73: {  	_ =	shalt  }
0x74: {  	_ =	shalt  }
0x75: {  	_ =	shalt  }
0x76: {  	_ =	shalt  }
0x77: {  	_ =	shalt  }
0x78: {  	_ =	shalt  }
0x79: {  	_ =	shalt  }
0x7a: {  	_ =	shalt  }
0x7b: {  	_ =	shalt  }
0x7c: {  	_ =	shalt  }
0x7d: {  	_ =	shalt  }
0x7e: {  	_ =	shalt  }
0x7f: {  	_ =	shalt  }
0x80: {  	_ =	shalt  }
0x81: {  	_ =	shalt  }
0x82: {  	_ =	shalt  }
0x83: {  	_ =	shalt  }
0x84: {  	_ =	shalt  }
0x85: {  	_ =	shalt  }
0x86: {  	_ =	shalt  }
0x87: {  	_ =	shalt  }
.Lfunc_end0:
.L_simem_size_0:
called_computation_lowered:
.L_overlay_start_0:
0x88: {  	s0 =	sld [smem:$0x3FD9]  }
0x89: {  	s1 =	sld [smem:$0x3FFE];
	_ =	sdelay $0x3  }
0x8a: {  	s0 =	sadd.s32 s1, s0  }
0x8b: {  	[smem:$0x3FC4] =	sst s0  }
0x8c: {  	_ = 	snop  }
0x8d: {  	s0 =	sld [smem:$0x3FC9]  }
0x8e: {  	s16 =	sld [smem:$0x3FC8]  }
0x8f: {  	s2 =	sld [smem:$0x3FD0];
	(tm) =	ssettm $0x1  }
0x90: {  	s3 =	sld [smem:$0x3FFB];
	_ =	sdelay $0x3  }
0x91: {  	_ =	strace s3  }
0x92: {  	s3 =	sld [smem:$0x3FFC];
	_ =	sdelay $0x3  }
0x93: {  	_ =	strace s3  }
0x94: {  	s3 =	sld [smem:$0x3FFD];
	_ =	sdelay $0x3  }
0x95: {  	_ =	strace s3  }
0x96: {  	_ =	strace $0x8FFFFFFF  }
0x97: {  	s17 =	sld [smem:$0x3FDB];
	_ =	sdelay $0x1  }
0x98: {  	s4 =	simm.s32 $_scs_section_size  }
0x99: {  	s5 =	simm.s32 $_size__tile_overlayer_lowered;
	s6 =	simm.s32 $_tile_overlayer_lowered  }
0x9a: {  	s20 =	simm.s32 $0x1BFF;
	s19 =	sshll.u32 s6, $0x1;
	s3 =	sadd.s32 s4, s17  }
0x9b: {  	s7 =	simm.s32 $0x0;
	s18 =	sshll.u32 s5, $0x1;
	s5 =	sadd.s32 s19, s3  }
0x9c: {  	[timem:s7], [sflag:s20] =	dma.local [hbm:s5], s18  }
0x9d: {  	_ =	swait.ge [sflag:s20], s18  }
0x9e: {  	s4 =	ssub.s32 $0x0, s18;
	[sflag:s20] =	ssyncset.done $0x0  }
0x9f: {  	[sflag:s20] =	ssyncadd.s32 s4;
	_ =	sdelay $0x1  }
0xa0: {  	s21 =	simm.s32 $0x1B8B  }
0xa1: {  	_ =	swait.ge [sflag:s21], $0x1  }
0xa2: {  	[sflag:s21] =	ssyncset.done $0x0  }
0xa3: {  	s23 =	simm.s32 $0x1B8E;
	s22 =	sld [smem:$0x3FFE];
	[sflag:s21] =	ssyncadd.s32 $0xFFFFFFFF  }
0xa4: {  	s24 =	simm.s32 $execute0_lowered;
	[smem:$0x3FD2] =	sst s23  }
0xa5: {  	s5 =	sshll.u32 s24, $0x1;
	_ =	strace $0x80000046;
	[dreg:$0x1] =	wrdreg $0xFFFFFFFF  }
0xa6: {  	s25 =	simm.s32 $_size_execute0_lowered;
	s3 =	sadd.s32 s3, s5;
	[dreg:$0x0] =	wrdreg $0x0  }
0xa7: {  	s5 =	sshll.u32 s25, $0x1;
	[dreg:$0x2] =	wrdreg s3  }
0xa8: {  	[dreg:$0x3] =	wrdreg s5  }
0xa9: {  	[dreg:$0x4] =	wrdreg $0xC0  }
0xaa: {  	_ =	task [dreg:s7], $0x5FFFF  }
0xab: {  	[dreg:$0x1] =	wrdreg $0xFFFFFFFF  }
0xac: {  	[dreg:$0x0] =	wrdreg $0x60  }
0xad: {  	[dreg:$0x2] =	wrdreg s0  }
0xae: {  	[dreg:$0x3] =	wrdreg s16  }
0xaf: {  	[dreg:$0x4] =	wrdreg s22  }
0xb0: {  	[dreg:$0x5] =	wrdreg s2  }
0xb1: {  	[dreg:$0x6] =	wrdreg $0x17000  }
0xb2: {  	[dreg:$0x7] =	wrdreg $0x9  }
0xb3: {  	_ =	task.clear_ibuf [dreg:s7], $0x8FFFF;
	_ =	strace $0x90000046  }
0xb4: {  	s26 =	simm.s32 $0x9;
	_ =	strace $0x80000048  }
0xb5: {  	_ =	swait.ge [sflag:s26], $0x1  }
0xb6: {  	[sflag:s26] =	ssyncadd.s32 $0xFFFFFFFF  }
0xb7: {  	_ =	strace $0x90000048  }
0xb8: {  	_ =	sfence  }
0xb9: {  	s28 =	sld [smem:$0x0];
	_ =	sdelay $0x1  }
0xba: {  	s29 =	srdreg.scid  }
0xbb: {  	s30 =	sshll.u32 s29, $0xD;
	s31 =	sshrl.u32 s29, $0x2  }
0xbc: {  	s1 =	sand.u32 $0x1, s29;
	s2 =	sand.u32 $0x4000, s30;
	s0 =	sadd.s32 s31, s28  }
0xbd: {  	s1 =	sor.u32 s2, s1;
	s0 =	sshll.u32 s0, $0x11  }
0xbe: {  	s0 =	sor.u32 s0, s1  }
0xbf: {  	s0 =	sadd.s32 $0x8F2B, s0  }
0xc0: {  	[sflag:s0] =	ssyncadd.remote.s32 $0x1  }
0xc1: {  	_ =	sfence.sel $0xFFFF  }
0xc2: {  	[dreg:$0x0] =	wrdreg $0xFFFFFFFF;
	(pc) =	sbr.abs _section_cstart, $3  }
0xc3: {  	[dreg:$0x1] =	wrdreg $0xFFFFFFFF  }
0xc4: {  	_ =	task.clear_ibuf [dreg:s7], $0x2FFFF;
	_ =	strace $0x9FFFFFFF  }
0xc5: {  	(tm) =	ssettm $0x7FFFFFFF  }
tec
execute0_lowered:
.L_overlay_start_1:
0x0: {  	(tag) =	ssettag $0x1  }
0x1: {  	s4 =	rddreg [dreg:$0x0]  }
0x2: {  	s5 =	rddreg [dreg:$0x1]  }
0x3: {  	s6 =	rddreg [dreg:$0x2]  }
0x4: {  	s1 =	rddreg [dreg:$0x3]  }
0x5: {  	s2 =	rddreg [dreg:$0x4];
	s8 =	simm.s32 $0x0;
	s3 =	stileid.u32  }
0x6: {  	[smem:$0x7FF] =	sst s8;
	s9 =	sshll.u32 s3, $0x8  }
0x7: {  	s0 =	rddreg [dreg:$0x5];
	_ =	strace $0x80000047;
	s4 =	sadd.s32 s4, s9  }
0x8: {  	[tilespmem:s8], [sflag:$0x1] =	stream.linear.gather [hbm4b:s4+s8], $0x800, $0x38;
	[tilespmem:$0x1740] =	vst v63  }
0x9: {  	s7 =	simm.s32 $0x800;
	s20 =	sadd.s32 s5, s9  }
0xa: {  	[tilespmem:s7], [sflag:$0x2] =	stream.linear.gather [hbm4b:s20+s8], $0x800, $0x38;
	[tilespmem:$0x1740] =	vst v63  }
0xb: {  	s22 =	simm.s32 $0x1000;
	s21 =	sadd.s32 $0x400, s6;
	s4 =	simm.s32 $0x1  }
0xc: {  	[tilespmem:s22], [sflag:$0x3] =	stream.linear.gather [hbm4b:s21+s8], $0x80, $0x38;
	[tilespmem:$0x1740] =	vst v63  }
0xd: {  	_ =	swait.ge [sflag:s4], $0x800  }
0xe: {  	[sflag:s4] =	ssyncset.done $0x0  }
0xf: {  	s23 =	simm.s32 $0x2;
	[sflag:s4] =	ssyncadd.s32 $0xFFFFF800  }
0x10: {  	_ =	swait.ge [sflag:s23], $0x800  }
0x11: {  	[sflag:s23] =	ssyncset.done $0x0  }
0x12: {  	s24 =	simm.s32 $0x3;
	[sflag:s23] =	ssyncadd.s32 $0xFFFFF800  }
0x13: {  	_ =	swait.ge [sflag:s24], $0x80  }
0x14: {  	[sflag:s24] =	ssyncset.done $0x0  }
0x15: {  	[sflag:s24] =	ssyncadd.s32 $0xFFFFFF80  }
0x16: {  	v0 =	vld [tilespmem:$0x1000];
	_ =	sdelay $0x4  }
0x17: {  	(v2sf) =	vpush v0, $0x0;
	_ =	sdelay $0xe  }
0x18: {  	s25 =	sshll.u32 s3, $0xB;
	s26 =	spop (v2sf)  }
0x19: {  	s5 =	ssub.s32 s26, s25  }
0x1a: {  	p0 =	sgt.s32 s5, $0x0  }
0x1b: {  	p1 =	slt.s32 s5, $0x1;
	s5 =	simm.s32 @!p0 $0x0  }
0x1c: {  	s28 =	smin.u32 s5, $0x800  }
0x1d: {  	s5 =	sand.u32 $0xF, s28  }
0x1e: {  	p6 =	sne.s32 s5, $0x0  }
0x1f: {  	p0 =	por !p1, !p6  }
0x20: {  	p0 =	por !p0, !p0  }
0x21: {  	s29 =	sshrl.u32 s28, $0x4;
	s4 =	simm.s32 @!p0 $0x0  }
0x22: {  	s5 =	ssub.s32 s29, s4  }
0x23: {  	p0 =	slt.s32 s5, $0x1  }
.Ltmp0:
0x24: {  	_ = 	snop;
	(pc) =	sbr.rel @p0 .LBB2_1-.Ltmp0, $3  }
0x25: {  	_ =	sdelay $0x1  }
0x26: {  	s30 =	sshrl.u32 s9, $0x2;
	s31 =	sshll.u32 s5, $0x4  }
0x27: {  	s4 =	sadd.s32 s30, s2;
	s6 =	ssub.s32 s28, s31  }
0x28: {  	v2 =	vld [tilespmem:s8+$0x0];
	_ =	sdelay $0x2  }
0x29: {  	v1 =	vimm.f32 $0.0e+00;
	v4 =	vimm.f32 $0.0e+00;
	v11 =	vimm.f32 $0.0e+00  }
0x2a: {  	v0 =	vld [tilespmem:s7+$0x0];
	v6 =	vimm.f32 $0.0e+00;
	v7 =	vimm.f32 $0.0e+00;
	v14 =	vimm.f32 $0.0e+00  }
0x2b: {  	v17 =	vimm.f32 $0.0e+00;
	v18 =	vimm.f32 $0.0e+00;
	vm9 =	veq.s32 v2, $0x0  }
0x2c: {  	s31 =	ssub.s32 $0x0, s5;
	vm10 =	veq.s32 v2, $0x1;
	vm11 =	veq.s32 v2, $0x2;
	vm12 =	veq.s32 v2, $0x3  }
0x2d: {  	s8 =	sadd.s32 $0x1, s31;
	vm13 =	veq.s32 v2, $0x4;
	vm14 =	veq.s32 v2, $0x5;
	vm15 =	veq.s32 v2, $0x6  }
0x2e: {  	p0 =	seq.s32 s8, $0x0;
	vm8 =	veq.s32 v2, $0x7;
	vm7 =	veq.s32 v2, $0x8;
	vm6 =	veq.s32 v2, $0x9  }
.Ltmp1:
0x2f: {  	vm0 =	veq.s32 v2, $0xA;
	vm1 =	veq.s32 v2, $0xB;
	v15 =	vadd.f32 v0, v1;
	(pc) =	sbr.rel @p0 .LBB2_4-.Ltmp1, $4  }
0x30: {  	vm5 =	veq.s32 v2, $0xC;
	vm2 =	veq.s32 v2, $0xD;
	vm3 =	veq.s32 v2, $0xE  }
0x31: {  	vm4 =	veq.s32 v2, $0xF;
	v13 =	vsel vm9, v15, v1;
	v12 =	vsel vm10, v15, v1  }
0x32: {  	v10 =	vsel vm11, v15, v1;
	v9 =	vsel vm12, v15, v1;
	v8 =	vsel vm13, v15, v1  }
0x33: {  	s9 =	simm.s32 $0x10;
	v2 =	vimm.f32 $0.0e+00;
	v5 =	vsel vm14, v15, v1;
	v3 =	vsel vm15, v15, v1;
	v16 =	vmovc v15;
	v20 =	vmovc v15  }
.LBB2_3:
0x34: {  	v19 =	vld [tilespmem:s9+$0x0];
	v1 =	vsel vm8, v15, v1;
	v15 =	vadd.f32 v0, v2;
	v21 =	vadd.f32 v0, v4  }
0x35: {  	v22 =	vadd.f32 v0, v7;
	v11 =	vsel vm7, v16, v11;
	v16 =	vadd.f32 v0, v6  }
0x36: {  	v23 =	vadd.f32 v0, v18;
	v14 =	vsel vm6, v20, v14;
	v20 =	vadd.f32 v0, v17  }
0x37: {  	s7 =	sadd.s32 $0x10, s7;
	v2 =	vsel vm0, v15, v2;
	v4 =	vsel vm1, v21, v4;
	v6 =	vsel vm5, v16, v6  }
0x38: {  	v7 =	vsel vm2, v22, v7;
	v18 =	vsel vm4, v23, v18;
	v17 =	vsel vm3, v20, v17;
	v0 =	vld [tilespmem:s7+$0x0]  }
0x39: {  	vm10 =	veq.s32 v19, $0x0;
	vm11 =	veq.s32 v19, $0x1;
	vm12 =	veq.s32 v19, $0x2  }
0x3a: {  	vm13 =	veq.s32 v19, $0x3;
	vm14 =	veq.s32 v19, $0x4;
	vm15 =	veq.s32 v19, $0x5  }
0x3b: {  	vm9 =	veq.s32 v19, $0x6;
	vm8 =	veq.s32 v19, $0x7;
	vm7 =	veq.s32 v19, $0x8  }
0x3c: {  	vm6 =	veq.s32 v19, $0x9;
	vm0 =	veq.s32 v19, $0xA;
	vm1 =	veq.s32 v19, $0xB  }
0x3d: {  	s8 =	sadd.s32 $0x1, s8;
	vm5 =	veq.s32 v19, $0xC;
	vm2 =	veq.s32 v19, $0xD;
	v15 =	vadd.f32 v0, v13  }
0x3e: {  	p0 =	seq.s32 s8, $0x0;
	vm3 =	veq.s32 v19, $0xE;
	vm4 =	veq.s32 v19, $0xF;
	v16 =	vadd.f32 v0, v12  }
.Ltmp2:
0x3f: {  	v19 =	vadd.f32 v0, v9;
	v13 =	vsel vm10, v15, v13;
	v15 =	vadd.f32 v0, v10;
	(pc) =	sbr.rel @!p0 .LBB2_3-.Ltmp2, $4  }
0x40: {  	v20 =	vadd.f32 v0, v5;
	v12 =	vsel vm11, v16, v12;
	v16 =	vadd.f32 v0, v8  }
0x41: {  	v9 =	vsel vm13, v19, v9;
	v19 =	vadd.f32 v0, v3;
	v10 =	vsel vm12, v15, v10  }
0x42: {  	v5 =	vsel vm15, v20, v5;
	v8 =	vsel vm14, v16, v8;
	v15 =	vadd.f32 v0, v1  }
0x43: {  	s9 =	sadd.s32 $0x10, s9;
	v20 =	vadd.f32 v0, v14;
	v3 =	vsel vm9, v19, v3;
	v16 =	vadd.f32 v0, v11  }
.LBB2_4:
.Ltmp3:
0x44: {  	v19 =	vsel vm8, v15, v1;
	v1 =	vadd.f32 v0, v2;
	v21 =	vadd.f32 v0, v4;
	(pc) =	sbr.rel .LBB2_5-.Ltmp3, $4  }
0x45: {  	v22 =	vadd.f32 v0, v6;
	v23 =	vadd.f32 v0, v7;
	v16 =	vsel vm7, v16, v11  }
0x46: {  	v15 =	vsel vm6, v20, v14;
	v20 =	vadd.f32 v0, v17;
	v0 =	vadd.f32 v0, v18  }
0x47: {  	v14 =	vsel vm0, v1, v2;
	v11 =	vsel vm1, v21, v4;
	v6 =	vsel vm5, v22, v6  }
0x48: {  	v4 =	vsel vm2, v23, v7;
	v1 =	vsel vm3, v20, v17;
	v0 =	vsel vm4, v0, v18  }
.LBB2_1:
0x49: {  	v13 =	vimm.f32 $0.0e+00  }
0x4a: {  	v12 =	vimm.f32 $0.0e+00;
	v10 =	vimm.f32 $0.0e+00;
	v9 =	vimm.f32 $0.0e+00  }
0x4b: {  	v8 =	vimm.f32 $0.0e+00;
	v5 =	vimm.f32 $0.0e+00;
	v3 =	vimm.f32 $0.0e+00  }
0x4c: {  	v19 =	vimm.f32 $0.0e+00;
	v16 =	vimm.f32 $0.0e+00;
	v15 =	vimm.f32 $0.0e+00  }
0x4d: {  	v14 =	vimm.f32 $0.0e+00;
	v11 =	vimm.f32 $0.0e+00;
	v6 =	vimm.f32 $0.0e+00  }
0x4e: {  	v4 =	vimm.f32 $0.0e+00;
	v1 =	vimm.f32 $0.0e+00;
	v0 =	vimm.f32 $0.0e+00  }
.LBB2_5:
0x4f: {  	p0 =	slt.s32 s5, $0x7F  }
0x50: {  	s5 =	simm.s32 @!p0 $0x7F  }
0x51: {  	s5 =	sshll.u32 s5, $0x4  }
0x52: {  	v7 =	vld [tilespmem:s5+$0x800];
	_ =	sdelay $0x1  }
0x53: {  	v2 =	vld [tilespmem:s5+$0x0]  }
0x54: {  	v17 =	vmov s6;
	v18 =	vlaneseq.u32  }
0x55: {  	vm0 =	vgt.s32 v17, v18  }
0x56: {  	v7 =	vnsel vm0, $0x0, v7  }
0x57: {  	v46 =	vadd.f32 v7, v13  }
0x58: {  	vm8 =	veq.s32 v2, $0x0;
	v47 =	vadd.f32 v7, v12  }
0x59: {  	vm9 =	veq.s32 v2, $0x1;
	v48 =	vadd.f32 v7, v10;
	v13 =	vsel vm8, v46, v13  }
0x5a: {  	vm10 =	veq.s32 v2, $0x2;
	v50 =	vadd.f32 v7, v9;
	v12 =	vsel vm9, v47, v12;
	[tilespmem:$0x1100] =	vst v13  }
0x5b: {  	vm11 =	veq.s32 v2, $0x3;
	v21 =	vadd.f32 v7, v8;
	v10 =	vsel vm10, v48, v10;
	[tilespmem:$0x1120] =	vst v12;
	v49 =	vld [tilespmem:$0x1108]  }
0x5c: {  	vm12 =	veq.s32 v2, $0x4;
	v53 =	vadd.f32 v7, v5;
	v9 =	vsel vm11, v50, v9;
	[tilespmem:$0x1140] =	vst v10;
	v20 =	vld [tilespmem:$0x1128]  }
0x5d: {  	vm13 =	veq.s32 v2, $0x5;
	v55 =	vadd.f32 v7, v3;
	v8 =	vsel vm12, v21, v8;
	[tilespmem:$0x1160] =	vst v9;
	v51 =	vld [tilespmem:$0x1148]  }
0x5e: {  	vm14 =	veq.s32 v2, $0x6;
	v57 =	vadd.f32 v7, v19;
	v5 =	vsel vm13, v53, v5;
	[tilespmem:$0x1180] =	vst v8;
	v52 =	vld [tilespmem:$0x1168]  }
0x5f: {  	vm15 =	veq.s32 v2, $0x7;
	v34 =	vadd.f32 v7, v16;
	v3 =	vsel vm14, v55, v3;
	[tilespmem:$0x11A0] =	vst v5;
	v56 =	vld [tilespmem:$0x1188]  }
0x60: {  	vm4 =	veq.s32 v2, $0x8;
	v36 =	vadd.f32 v7, v15;
	v19 =	vsel vm15, v57, v19;
	[tilespmem:$0x11C0] =	vst v3;
	v58 =	vld [tilespmem:$0x11A8]  }
0x61: {  	vm5 =	veq.s32 v2, $0x9;
	v38 =	vadd.f32 v7, v14;
	v16 =	vsel vm4, v34, v16;
	[tilespmem:$0x11E0] =	vst v19;
	v59 =	vld [tilespmem:$0x11C8]  }
0x62: {  	vm6 =	veq.s32 v2, $0xA;
	v44 =	vadd.f32 v7, v6;
	v15 =	vsel vm5, v36, v15;
	[tilespmem:$0x1200] =	vst v16;
	v61 =	vld [tilespmem:$0x11E8]  }
0x63: {  	v14 =	vsel vm6, v38, v14;
	vm8 =	veq.s32 v2, $0xC;
	v46 =	vadd.f32 v7, v4;
	[tilespmem:$0x1220] =	vst v15;
	v39 =	vld [tilespmem:$0x1208]  }
0x64: {  	vm9 =	veq.s32 v2, $0xD;
	[tilespmem:$0x1240] =	vst v14;
	v6 =	vsel vm8, v44, v6;
	v41 =	vld [tilespmem:$0x1228]  }
0x65: {  	v43 =	vld [tilespmem:$0x1248];
	[tilespmem:$0x1280] =	vst v6;
	v4 =	vsel vm9, v46, v4;
	v13 =	vadd.f32 v13, v49  }
0x66: {  	v50 =	vld [tilespmem:$0x1288];
	[tilespmem:$0x12A0] =	vst v4;
	v12 =	vadd.f32 v20, v12  }
0x67: {  	v10 =	vadd.f32 v51, v10;
	v9 =	vadd.f32 v52, v9;
	v52 =	vld [tilespmem:$0x12A8];
	[tilespmem:$0x1100] =	vst v13  }
0x68: {  	[tilespmem:$0x1120] =	vst v12;
	v54 =	vld [tilespmem:$0x1104]  }
0x69: {  	v8 =	vadd.f32 v56, v8;
	[tilespmem:$0x1140] =	vst v10;
	v22 =	vld [tilespmem:$0x1124]  }
0x6a: {  	v5 =	vadd.f32 v58, v5;
	[tilespmem:$0x1160] =	vst v9;
	v23 =	vld [tilespmem:$0x1144]  }
0x6b: {  	v3 =	vadd.f32 v59, v3;
	[tilespmem:$0x1180] =	vst v8;
	v60 =	vld [tilespmem:$0x1164]  }
0x6c: {  	v17 =	vadd.f32 v61, v19;
	[tilespmem:$0x11A0] =	vst v5;
	v63 =	vld [tilespmem:$0x1184]  }
0x6d: {  	v16 =	vadd.f32 v39, v16;
	[tilespmem:$0x11C0] =	vst v3;
	v25 =	vld [tilespmem:$0x11A4]  }
0x6e: {  	v15 =	vadd.f32 v41, v15;
	[tilespmem:$0x11E0] =	vst v17;
	v27 =	vld [tilespmem:$0x11C4]  }
0x6f: {  	[tilespmem:$0x1200] =	vst v16;
	v29 =	vld [tilespmem:$0x11E4];
	v13 =	vadd.f32 v54, v13  }
0x70: {  	v14 =	vadd.f32 v43, v14;
	[tilespmem:$0x1220] =	vst v15;
	v48 =	vld [tilespmem:$0x1204]  }
0x71: {  	v49 =	vadd.f32 v7, v1;
	v51 =	vld [tilespmem:$0x1224];
	v12 =	vadd.f32 v22, v12;
	[tilespmem:$0x1100] =	vst v13  }
0x72: {  	v40 =	vadd.f32 v7, v11;
	vm10 =	veq.s32 v2, $0xE;
	v7 =	vadd.f32 v7, v0;
	[tilespmem:$0x1240] =	vst v14;
	v62 =	vld [tilespmem:$0x1102]  }
0x73: {  	vm11 =	veq.s32 v2, $0xF;
	v1 =	vsel vm10, v49, v1;
	v53 =	vld [tilespmem:$0x1244];
	[tilespmem:$0x1120] =	vst v12  }
0x74: {  	v0 =	vsel vm11, v7, v0;
	[tilespmem:$0x12C0] =	vst v1;
	v10 =	vadd.f32 v23, v10;
	v24 =	vld [tilespmem:$0x1122]  }
0x75: {  	v6 =	vadd.f32 v50, v6;
	[tilespmem:$0x12E0] =	vst v0;
	v55 =	vld [tilespmem:$0x12C8]  }
0x76: {  	vm7 =	veq.s32 v2, $0xB;
	v57 =	vld [tilespmem:$0x12E8];
	[tilespmem:$0x1140] =	vst v10  }
0x77: {  	v11 =	vsel vm7, v40, v11;
	[tilespmem:$0x1280] =	vst v6;
	v26 =	vld [tilespmem:$0x1142];
	v13 =	vadd.f32 v62, v13  }
0x78: {  	[tilespmem:$0x1260] =	vst v11;
	v59 =	vld [tilespmem:$0x1284];
	v9 =	vadd.f32 v60, v9  }
0x79: {  	v3 =	vadd.f32 v27, v3;
	v27 =	vld [tilespmem:$0x1268];
	v12 =	vadd.f32 v24, v12;
	[tilespmem:$0x1100] =	vst v13  }
0x7a: {  	v8 =	vadd.f32 v63, v8;
	[tilespmem:$0x1160] =	vst v9;
	v30 =	vld [tilespmem:$0x1101]  }
0x7b: {  	v5 =	vadd.f32 v25, v5;
	v28 =	vld [tilespmem:$0x1162];
	[tilespmem:$0x1120] =	vst v12;
	(v2sf) =	vpush v13, $0x0  }
0x7c: {  	[tilespmem:$0x1180] =	vst v8;
	v10 =	vadd.f32 v26, v10;
	v32 =	vld [tilespmem:$0x1121]  }
0x7d: {  	[tilespmem:$0x11A0] =	vst v5;
	v31 =	vld [tilespmem:$0x1182]  }
0x7e: {  	v17 =	vadd.f32 v29, v17;
	v33 =	vld [tilespmem:$0x11A2];
	[tilespmem:$0x1140] =	vst v10  }
0x7f: {  	v54 =	vadd.f32 v48, v16;
	[tilespmem:$0x11C0] =	vst v3;
	v24 =	vld [tilespmem:$0x1141];
	(v2sf) =	vpush v30, $0x0  }
0x80: {  	[tilespmem:$0x11E0] =	vst v17;
	v35 =	vld [tilespmem:$0x11C2];
	v9 =	vadd.f32 v28, v9;
	(v2sf) =	vpush v12, $0x0  }
0x81: {  	v15 =	vadd.f32 v51, v15;
	[tilespmem:$0x1200] =	vst v54;
	v37 =	vld [tilespmem:$0x11E2];
	(v2sf) =	vpush v32, $0x0  }
0x82: {  	v2 =	vadd.f32 v53, v14;
	v58 =	vld [tilespmem:$0x1202];
	[tilespmem:$0x1160] =	vst v9  }
0x83: {  	[tilespmem:$0x1220] =	vst v15;
	v11 =	vadd.f32 v27, v11;
	v25 =	vld [tilespmem:$0x1161];
	(v2sf) =	vpush v10, $0x0  }
0x84: {  	[tilespmem:$0x1240] =	vst v2;
	v60 =	vld [tilespmem:$0x1222];
	v8 =	vadd.f32 v31, v8;
	(v2sf) =	vpush v24, $0x0  }
0x85: {  	v1 =	vadd.f32 v55, v1;
	v63 =	vld [tilespmem:$0x1242];
	[tilespmem:$0x1260] =	vst v11  }
0x86: {  	v4 =	vadd.f32 v52, v4;
	v56 =	vld [tilespmem:$0x1264];
	[tilespmem:$0x1180] =	vst v8  }
0x87: {  	[tilespmem:$0x12C0] =	vst v1;
	v5 =	vadd.f32 v33, v5;
	v26 =	vld [tilespmem:$0x1181];
	(v2sf) =	vpush v9, $0x0  }
0x88: {  	[tilespmem:$0x12A0] =	vst v4;
	v21 =	vld [tilespmem:$0x12C4];
	v3 =	vadd.f32 v35, v3;
	(v2sf) =	vpush v25, $0x0  }
0x89: {  	v17 =	vadd.f32 v37, v17;
	v62 =	vld [tilespmem:$0x12A4];
	[tilespmem:$0x11A0] =	vst v5  }
0x8a: {  	v0 =	vadd.f32 v57, v0;
	[tilespmem:$0x11C0] =	vst v3;
	v42 =	vld [tilespmem:$0x11A1];
	s21 =	spop (v2sf);
	(v2sf) =	vpush v8, $0x0  }
0x8b: {  	[tilespmem:$0x11E0] =	vst v17;
	v45 =	vld [tilespmem:$0x11C1];
	v61 =	vadd.f32 v56, v11  }
0x8c: {  	v6 =	vadd.f32 v59, v6;
	[tilespmem:$0x12E0] =	vst v0;
	v47 =	vld [tilespmem:$0x11E1];
	(v2sf) =	vpush v26, $0x0  }
0x8d: {  	v20 =	vadd.f32 v58, v54;
	[tilespmem:$0x1260] =	vst v61;
	v25 =	vld [tilespmem:$0x12E4];
	(v2sf) =	vpush v5, $0x0  }
0x8e: {  	[tilespmem:$0x1280] =	vst v6;
	v4 =	vadd.f32 v62, v4;
	v24 =	vld [tilespmem:$0x1262];
	s22 =	spop (v2sf)  }
0x8f: {  	v27 =	vld [tilespmem:$0x1282];
	[tilespmem:$0x1200] =	vst v20;
	v10 =	vadd.f32 v60, v15;
	(v2sf) =	vpush v42, $0x0;
	s23 =	spop (v2sf)  }
0x90: {  	v1 =	vadd.f32 v21, v1;
	[tilespmem:$0x12A0] =	vst v4;
	v26 =	vld [tilespmem:$0x1201];
	s24 =	spop (v2sf);
	(v2sf) =	vpush v3, $0x0  }
0x91: {  	v2 =	vadd.f32 v63, v2;
	v31 =	vld [tilespmem:$0x12A2];
	[tilespmem:$0x1220] =	vst v10;
	(v2sf) =	vpush v45, $0x0  }
0x92: {  	[tilespmem:$0x12C0] =	vst v1;
	v29 =	vld [tilespmem:$0x1221];
	v0 =	vadd.f32 v25, v0;
	s25 =	spop (v2sf);
	(v2sf) =	vpush v17, $0x0  }
0x93: {  	[tilespmem:$0x1240] =	vst v2;
	v33 =	vld [tilespmem:$0x12C2];
	v30 =	vadd.f32 v24, v61;
	s26 =	spop (v2sf);
	(v2sf) =	vpush v47, $0x0  }
0x94: {  	v32 =	vld [tilespmem:$0x1241];
	[tilespmem:$0x12E0] =	vst v0;
	(v2sf) =	vpush v20, $0x0  }
0x95: {  	vm12 =	vcmask $0x300;
	[tilespmem:$0x1260] =	vst v30;
	v36 =	vld [tilespmem:$0x12E2];
	s5 =	sadd.f32 s22, s21;
	v3 =	vadd.f32 v27, v6;
	(v2sf) =	vpush v26, $0x0  }
0x96: {  	vm13 =	vcmask $0x704;
	vm14 =	vcmask $0xB08;
	v34 =	vld [tilespmem:$0x1261];
	s28 =	spop (v2sf);
	(v2sf) =	vpush v10, $0x0  }
0x97: {  	v4 =	vadd.f32 v31, v4;
	v22 =	vmov s5;
	s5 =	sadd.f32 s24, s23;
	[tilespmem:$0x1280] =	vst v3;
	s29 =	spop (v2sf);
	(v2sf) =	vpush v29, $0x0  }
0x98: {  	v1 =	vadd.f32 v33, v1;
	v9 =	vnsel vm12, $0x0, v22;
	v37 =	vld [tilespmem:$0x1281];
	(v2sf) =	vpush v2, $0x0  }
0x99: {  	[tilespmem:$0x12A0] =	vst v4;
	v9 =	vadd.f32 $0.0e+00, v9;
	v28 =	vmov s5;
	s5 =	sadd.f32 s26, s25;
	s30 =	spop (v2sf);
	(v2sf) =	vpush v32, $0x0  }
0x9a: {  	v39 =	vld [tilespmem:$0x12A1];
	v0 =	vadd.f32 v36, v0;
	v11 =	vnsel vm13, $0x0, v28;
	(v2sf) =	vpush v30, $0x0  }
0x9b: {  	[tilespmem:$0x12C0] =	vst v1;
	v9 =	vadd.f32 v11, v9;
	v35 =	vmov s5;
	s5 =	sadd.f32 s29, s28;
	s31 =	spop (v2sf);
	(v2sf) =	vpush v34, $0x0  }
0x9c: {  	vm15 =	vcmask $0xF0C;
	v40 =	vld [tilespmem:$0x12C1];
	v6 =	vnsel vm14, $0x0, v35;
	s7 =	spop (v2sf);
	(v2sf) =	vpush v3, $0x0  }
0x9d: {  	[tilespmem:$0x12E0] =	vst v0;
	v6 =	vadd.f32 v6, v9;
	v38 =	vmov s5;
	s5 =	sadd.f32 s31, s30;
	(v2sf) =	vpush v37, $0x0  }
0x9e: {  	vm4 =	vcmask $0x1310;
	v43 =	vld [tilespmem:$0x12E1];
	v5 =	vnsel vm15, $0x0, v38;
	s8 =	spop (v2sf);
	(v2sf) =	vpush v4, $0x0  }
0x9f: {  	v5 =	vadd.f32 v5, v6;
	v41 =	vmov s5;
	s5 =	sadd.f32 s8, s7;
	s9 =	spop (v2sf);
	(v2sf) =	vpush v39, $0x0  }
0xa0: {  	vm5 =	vcmask $0x1714;
	v42 =	vnsel vm4, $0x0, v41;
	s10 =	spop (v2sf);
	(v2sf) =	vpush v1, $0x0  }
0xa1: {  	v2 =	vadd.f32 v42, v5;
	v44 =	vmov s5;
	s5 =	sadd.f32 s10, s9;
	s11 =	spop (v2sf);
	(v2sf) =	vpush v40, $0x0  }
0xa2: {  	vm6 =	vcmask $0x1B18;
	v45 =	vnsel vm5, $0x0, v44;
	s7 =	spop (v2sf);
	(v2sf) =	vpush v0, $0x0  }
0xa3: {  	v1 =	vadd.f32 v45, v2;
	v46 =	vmov s5;
	s12 =	sadd.f32 s7, s11;
	s13 =	spop (v2sf);
	(v2sf) =	vpush v43, $0x0  }
0xa4: {  	s14 =	spop (v2sf);
	v0 =	vnsel vm6, $0x0, v46  }
0xa5: {  	vm7 =	vcmask $0x1F1C;
	v47 =	vmov s12;
	s15 =	spop (v2sf);
	v0 =	vadd.f32 v0, v1;
	s6 =	sadd.f32 s14, s13  }
0xa6: {  	s16 =	spop (v2sf);
	v48 =	vnsel vm7, $0x0, v47  }
0xa7: {  	vm8 =	vcmask $0x2320;
	v49 =	vmov s6;
	s17 =	spop (v2sf);
	v0 =	vadd.f32 v48, v0;
	s5 =	sadd.f32 s16, s15  }
0xa8: {  	s18 =	spop (v2sf);
	v50 =	vnsel vm8, $0x0, v49  }
0xa9: {  	vm9 =	vcmask $0x2724;
	v51 =	vmov s5;
	s19 =	spop (v2sf);
	v0 =	vadd.f32 v50, v0;
	s6 =	sadd.f32 s18, s17  }
0xaa: {  	s20 =	spop (v2sf);
	v52 =	vnsel vm9, $0x0, v51  }
0xab: {  	vm10 =	vcmask $0x2B28;
	v53 =	vmov s6;
	s21 =	spop (v2sf);
	v0 =	vadd.f32 v52, v0;
	s5 =	sadd.f32 s20, s19  }
0xac: {  	s22 =	spop (v2sf);
	v54 =	vnsel vm10, $0x0, v53  }
0xad: {  	vm11 =	vcmask $0x2F2C;
	v55 =	vmov s5;
	s23 =	spop (v2sf);
	v0 =	vadd.f32 v54, v0;
	s6 =	sadd.f32 s22, s21  }
0xae: {  	s24 =	spop (v2sf);
	v56 =	vnsel vm11, $0x0, v55  }
0xaf: {  	vm12 =	vcmask $0x3330;
	v57 =	vmov s6;
	s25 =	spop (v2sf);
	v0 =	vadd.f32 v56, v0;
	s5 =	sadd.f32 s24, s23  }
0xb0: {  	s26 =	spop (v2sf);
	v58 =	vnsel vm12, $0x0, v57  }
0xb1: {  	vm13 =	vcmask $0x3734;
	v59 =	vmov s5;
	s28 =	spop (v2sf);
	v0 =	vadd.f32 v58, v0;
	s6 =	sadd.f32 s26, s25  }
0xb2: {  	v60 =	vnsel vm13, $0x0, v59;
	s29 =	spop (v2sf)  }
0xb3: {  	vm14 =	vcmask $0x3B38;
	v61 =	vmov s6;
	v0 =	vadd.f32 v60, v0;
	s5 =	sadd.f32 s29, s28  }
0xb4: {  	v62 =	vnsel vm14, $0x0, v61  }
0xb5: {  	vm15 =	vcmask $0x3B00;
	v0 =	vadd.f32 v62, v0;
	v63 =	vmov s5  }
0xb6: {  	v1 =	vsel vm15, $0x0, v63  }
0xb7: {  	v0 =	vadd.f32 v1, v0;
	_ =	sdelay $0x1  }
0xb8: {  	s30 =	simm.s32 $0x1080;
	s31 =	simm.s32 $0x4;
	[tilespmem:$0x1080] =	vst v0  }
0xb9: {  	[spmem:s4] =	stream.linear.scatter [tilespmem:s30], [sflag:$0x4], $0x10, $0x38;
	[tilespmem:$0x1740] =	vst v63  }
0xba: {  	_ =	swait.ge [sflag:s31], $0x10  }
0xbb: {  	[sflag:s31] =	ssyncset.done $0x0  }
0xbc: {  	[sflag:s31] =	ssyncadd.s32 $0xFFFFFFF0  }
0xbd: {  	p0 =	sne.s32 s3, $0x0;
	[bflag:$0x0] =	sbarrier.arrive $0xFFFF  }
0xbe: {  	_ =	sfence.sel @p0 $0x180000  }
0xbf: {  	[bflag:$0x0] =	sbarrier.arrive @p0 $0xFFFF  }
0xc0: {  	_ =	strace @p0 $0x90000047  }
0xc1: {  	s3 =	simm.s32 @!p0 $0x1300;
	[bflag:$0x2] =	sbarrier.arrive @p0 $0xFFFF  }
0xc2: {  	[tilespmem:s3], [sflag:$0x4] =	stream.linear.gather @!p0 [spmem:s2], $0x400, $0x38;
	[tilespmem:$0x1740] =	vst v63  }
0xc3: {  	s2 =	simm.s32 @!p0 $0x4  }
0xc4: {  	_ =	swait.ge @!p0 [sflag:s2], $0x400  }
0xc5: {  	[sflag:s2] =	ssyncset.done @!p0 $0x0  }
0xc6: {  	[sflag:s2] =	ssyncadd.s32 @!p0 $0xFFFFFC00  }
0xc7: {  	v0 =	vld @!p0 [tilespmem:$0x1300];
	_ =	sdelay $0x1  }
0xc8: {  	v1 =	vld @!p0 [tilespmem:$0x1340];
	_ =	sdelay $0x1  }
0xc9: {  	v2 =	vld @!p0 [tilespmem:$0x1380]  }
0xca: {  	v0 =	vadd.f32 @!p0 $0.0e+00, v0  }
0xcb: {  	v3 =	vld @!p0 [tilespmem:$0x13C0]  }
0xcc: {  	v0 =	vadd.f32 @!p0 v1, v0  }
0xcd: {  	v1 =	vld @!p0 [tilespmem:$0x1400]  }
0xce: {  	v0 =	vadd.f32 @!p0 v2, v0  }
0xcf: {  	v2 =	vld @!p0 [tilespmem:$0x1440]  }
0xd0: {  	v0 =	vadd.f32 @!p0 v3, v0  }
0xd1: {  	v3 =	vld @!p0 [tilespmem:$0x1480]  }
0xd2: {  	v0 =	vadd.f32 @!p0 v1, v0  }
0xd3: {  	v1 =	vld @!p0 [tilespmem:$0x14C0]  }
0xd4: {  	v0 =	vadd.f32 @!p0 v2, v0  }
0xd5: {  	v2 =	vld @!p0 [tilespmem:$0x1500]  }
0xd6: {  	v0 =	vadd.f32 @!p0 v3, v0  }
0xd7: {  	v3 =	vld @!p0 [tilespmem:$0x1540]  }
0xd8: {  	v0 =	vadd.f32 @!p0 v1, v0  }
0xd9: {  	v1 =	vld @!p0 [tilespmem:$0x1580]  }
0xda: {  	v0 =	vadd.f32 @!p0 v2, v0  }
0xdb: {  	v2 =	vld @!p0 [tilespmem:$0x15C0]  }
0xdc: {  	v0 =	vadd.f32 @!p0 v3, v0  }
0xdd: {  	v3 =	vld @!p0 [tilespmem:$0x1600]  }
0xde: {  	v0 =	vadd.f32 @!p0 v1, v0  }
0xdf: {  	v1 =	vld @!p0 [tilespmem:$0x1640]  }
0xe0: {  	v0 =	vadd.f32 @!p0 v2, v0  }
0xe1: {  	v2 =	vld @!p0 [tilespmem:$0x1680]  }
0xe2: {  	v0 =	vadd.f32 @!p0 v3, v0  }
0xe3: {  	v3 =	vld @!p0 [tilespmem:$0x16C0]  }
0xe4: {  	v0 =	vadd.f32 @!p0 v1, v0;
	v1 =	vld @!p0 [tilespmem:$0x1010];
	_ =	sdelay $0x1  }
0xe5: {  	v0 =	vadd.f32 @!p0 v2, v0;
	_ =	sdelay $0x1  }
0xe6: {  	v2 =	vlaneseq.u32 @!p0;
	v0 =	vadd.f32 @!p0 v3, v0  }
0xe7: {  	vm0 =	vgt.s32 @!p0 v1, v2  }
0xe8: {  	v0 =	vnsel @!p0 vm0, $0x0, v0  }
0xe9: {  	s4 =	simm.s32 @!p0 $0x1080;
	s3 =	simm.s32 @!p0 $0x0;
	[tilespmem:$0x1080] =	vst @!p0 v0  }
0xea: {  	[hbm4b:s1+s3] =	stream.linear.scatter @!p0 [tilespmem:s4], [sflag:$0x4], $0x80, $0x38;
	[tilespmem:$0x1740] =	vst v63  }
0xeb: {  	_ =	swait.ge @!p0 [sflag:s2], $0x80  }
0xec: {  	[sflag:s2] =	ssyncset.done @!p0 $0x0  }
0xed: {  	[sflag:s2] =	ssyncadd.s32 @!p0 $0xFFFFFF80  }
0xee: {  	_ =	sfence.sel @!p0 $0x180000  }
0xef: {  	[bflag:$0x0] =	sbarrier.arrive @!p0 $0xFFFF  }
0xf0: {  	_ =	strace @!p0 $0x90000047  }
0xf1: {  	s0 =	sadd.s32 @!p0 $0x100000, s0;
	[bflag:$0x2] =	sbarrier.arrive @!p0 $0xFFFF  }
0xf2: {  	[sflag:s0] =	ssyncadd.tile.s32 @!p0 $0x1;
	_ =	shalt  }
.Lfunc_end2:
_tile_overlayer_lowered:
.L_overlay_start_2:
0xf3: {  	(tag) =	ssettag $0x2  }
0xf4: {  	s0 =	rddreg [dreg:$0x0];
	s2 =	stileid.u32  }
0xf5: {  	s1 =	rddreg [dreg:$0x1];
	p0 =	sne.s32 s2, $0x0  }
0xf6: {  	s3 =	rddreg [dreg:$0x2];
	[bflag:$0x3] =	sbarrier.arrive $0xFFFF;
	s2 =	simm.s32 @!p0 $0x1C04  }
0xf7: {  	[timem:s3], [sflag:s2] =	dma.local @!p0 [hbm:s0], s1  }
0xf8: {  	s0 =	simm.s32 @!p0 $0x4  }
0xf9: {  	_ =	swait.ge @!p0 [sflag:s0], s1  }
0xfa: {  	s1 =	ssub.s32 @!p0 $0x0, s1;
	[sflag:s0] =	ssyncset.done @!p0 $0x0  }
0xfb: {  	[sflag:s0] =	ssyncadd.s32 @!p0 s1  }
0xfc: {  	[bflag:$0x3] =	sbarrier.arrive $0xFFFF  }
0xfd: {  	_ =	shalt  }

</sc_bundles>
